<compile_context>
chip_gen: v7x
topology: tpu7x:2x2x1
jax: 0.10.2.dev20260603
libtpu: 0.0.44.dev20260713+nightly
codegen_flags: <defaults>
</compile_context>

<pallas_src>
import functools

import numpy as np
import jax
from jax import lax
import jax.numpy as jnp
from jax.experimental import pallas as pl
from jax.experimental.pallas import tpu as pltpu
from jax.experimental.pallas import tpu_sc as plsc

NUM_PARENTS = 100
CPP = 999
NUM_CLS = NUM_PARENTS + NUM_PARENTS * CPP
D = 64
BETA = 0.1
MARGIN = 0.1
NUM_NEG = 5
EPS = 1e-6

BLK = 5000
GRID = NUM_CLS // BLK
P_SPAN = 7
PT_PAD = 128
NEG = NUM_PARENTS * NUM_NEG
NEG_PAD = 512

_NEG_ORDER = np.array([
    26622, 9729, 14066, 90310, 70249, 96165, 56582, 60741, 69451, 15327,
    80982, 31593, 76600, 74554, 91958, 21405, 1232, 11482, 33883, 53427,
    13836, 15168, 50257, 52996, 98289, 49605, 92476, 12361, 98298, 68921,
    56961, 28229, 4887, 73881, 36977, 18770, 56615, 43830, 26202, 79778,
    34484, 32284, 89189, 59172, 3463, 48179, 61371, 4169, 47868, 94072,
    47565, 18157, 86462, 45691, 655, 50688, 39443, 48498, 610, 65345,
    39840, 13175, 53486, 7911, 92687, 86886, 68562, 39660, 89469, 73844,
    76968, 98509, 15188, 56961, 63807, 98491, 2807, 43998, 247, 20827,
    95235, 83429, 45187, 42723, 70323, 55613, 64188, 3751, 79009, 33644,
    58193, 59572, 72732, 50226, 23886, 70369, 29468, 1724, 26319, 45634,
    23127, 61474, 17103, 54308, 12411, 91466, 33856, 68991, 16994, 57965,
    21910, 53758, 46963, 32273, 62226, 41951, 16655, 68413, 51904, 70417,
    15370, 2592, 1457, 84734, 7695, 36352, 88127, 86684, 28182, 91193,
    27117, 9991, 55708, 83138, 13941, 41100, 68729, 63935, 42299, 39610,
    27423, 75506, 55170, 50764, 12854, 70101, 28682, 25859, 29561, 91931,
    24696, 23530, 56733, 87198, 44311, 57667, 59704, 50297, 95726, 46339,
    33030, 35259, 53956, 47833, 59925, 68455, 41125, 28013, 23608, 47209,
    25653, 85907, 64786, 49250, 87246, 65092, 16410, 95721, 60811, 81653,
    50833, 6971, 29890, 86458, 10962, 38341, 11194, 36421, 47953, 21390,
    5397, 44108, 60943, 21324, 14992, 53108, 62444, 67260, 71, 80593,
    47415, 2616, 1133, 61048, 72141, 29267, 9923, 71776, 83619, 61274,
    15714, 21709, 62590, 74018, 20061, 16420, 50784, 86255, 56391, 8854,
    18835, 74985, 3310, 24830, 72352, 52511, 16570, 51804, 65486, 75297,
    36392, 80226, 85157, 72775, 69923, 55993, 78037, 77465, 68429, 9150,
    1844, 98774, 96992, 84985, 9080, 97965, 81172, 36926, 33661, 87800,
    93930, 4867, 72944, 88392, 80766, 26007, 14747, 93193, 77297, 61148,
    80085, 84306, 57491, 35721, 83030, 28991, 80238, 26666, 61641, 47154,
    48033, 55027, 11154, 54464, 65892, 91661, 90372, 58648, 41253, 71001,
    80214, 18875, 55341, 96671, 63854, 48588, 4451, 71057, 30452, 61686,
    9647, 57430, 68344, 80680, 11428, 56645, 66686, 57726, 5672, 61400,
    34449, 12252, 78481, 37744, 90709, 90641, 86054, 95470, 77156, 10896,
    51321, 85745, 58410, 81832, 60105, 81458, 68412, 87322, 80676, 49337,
    67811, 58848, 96793, 42819, 93802, 66402, 23667, 35896, 71967, 84290,
    94698, 44198, 92617, 75830, 28556, 69623, 80128, 77257, 16001, 21918,
    55212, 27132, 11716, 84049, 71308, 96939, 28962, 69383, 78778, 22365,
    63887, 4343, 64736, 65121, 11660, 27844, 1202, 78814, 59612, 41144,
    44553, 25217, 2356, 76640, 67243, 14688, 7354, 46412, 26656, 96215,
    82596, 8247, 88914, 75975, 87771, 37727, 70044, 94588, 33934, 73513,
    81156, 33172, 88042, 33808, 80318, 30548, 12452, 73068, 37440, 12048,
    60443, 16057, 17965, 47070, 5229, 8402, 56203, 48282, 94505, 3231,
    5125, 96239, 27035, 31266, 31056, 75274, 36388, 60966, 21701, 33339,
    14670, 31513, 16012, 42628, 71768, 98187, 93748, 19817, 52501, 73512,
    52424, 30309, 87430, 48555, 36156, 68621, 65493, 6968, 41366, 62633,
    12734, 82160, 33398, 50661, 15493, 46472, 9534, 20164, 22150, 10002,
    15773, 1919, 28575, 75289, 82887, 37382, 34748, 79404, 64159, 76404,
    38875, 52783, 29623, 14587, 60059, 31802, 31787, 17144, 1166, 51558,
    91862, 830, 41919, 21378, 57774, 33182, 3035, 65192, 11910, 97505,
    47535, 57828, 22337, 85800, 3416, 54048, 38603, 8380, 65436, 76809,
    36706, 1206, 53062, 73844, 69614, 41905, 69582, 47268, 9682, 71916,
    62955, 48376, 3414, 21263, 49174, 26745, 43485, 35070, 37558, 98083,
], dtype=np.int32).reshape(NUM_PARENTS, NUM_NEG)


def _closed_form_cids():
    p = np.repeat(np.arange(NUM_PARENTS), NUM_NEG)
    o = _NEG_ORDER.reshape(-1).astype(np.int64)
    id_par = o + (o >= p)
    oc = np.maximum(o - (NUM_PARENTS - 1), 0)
    id_child = NUM_PARENTS + oc + np.where(oc >= p * CPP, CPP, 0)
    cids = np.where(o < NUM_PARENTS - 1, id_par, id_child)
    out = np.zeros(NEG_PAD, dtype=np.int32)
    out[:NEG] = cids
    return out


_CID_FLAT = _closed_form_cids()


@functools.lru_cache(maxsize=1)
def _sc_neg_gather_fn():
    info = plsc.get_sparse_core_info()
    nw = info.num_cores * info.num_subcores
    b = NEG_PAD // nw

    @functools.partial(
        pl.kernel,
        mesh=plsc.VectorSubcoreMesh(core_axis_name="c", subcore_axis_name="s"),
        out_type=jax.ShapeDtypeStruct((NEG_PAD, D), jnp.float32),
        scratch_types=[
            pltpu.VMEM((b,), jnp.int32),
            pltpu.VMEM((b, D), jnp.float32),
            pltpu.SemaphoreType.DMA,
        ],
    )
    def _sc_neg_gather(proto_hbm, cid_hbm, out_hbm, cid_v, rows_v, sem):
        wid = lax.axis_index("s") * info.num_cores + lax.axis_index("c")
        base = wid * b
        pltpu.sync_copy(cid_hbm.at[pl.ds(base, b)], cid_v)
        cids = cid_v[...]
        copies = []
        for j in range(b):
            c = cids[j]
            copies.append(pltpu.make_async_copy(
                proto_hbm.at[pl.ds(c, 1), :], rows_v.at[pl.ds(j, 1), :], sem))
        for cp in copies:
            cp.start()
        for cp in copies:
            cp.wait()
        pltpu.sync_copy(rows_v, out_hbm.at[pl.ds(base, b)])

    return _sc_neg_gather


_PI = float(np.pi)


def _acos(x):
    ax = jnp.abs(x)
    t = jnp.sqrt(jnp.maximum(1.0 - ax, 0.0))
    poly = ((-0.0187293 * ax + 0.0742610) * ax - 0.2121144) * ax + 1.5707288
    r = t * poly
    return jnp.where(x < 0.0, _PI - r, r)


def _aperture(pn):
    ap = jnp.clip(BETA / (pn + EPS), 0.0, 1.0 - EPS)
    return (0.5 * _PI) - _acos(ap)


def _main_body(ptable_ref, blk_ref, neg_ref, out_ref, acc_ref):
    k = pl.program_id(0)

    @pl.when(k == 0)
    def _init():
        acc_ref[0, 0] = 0.0

    c = blk_ref[...]
    p_base = jnp.clip((k * BLK - NUM_PARENTS) // CPP, 0,
                      NUM_PARENTS - P_SPAN)
    p4 = ptable_ref[pl.ds(p_base, P_SPAN), :]
    r = jax.lax.broadcasted_iota(jnp.int32, (1, BLK), 1) + k * BLK
    q = r - NUM_PARENTS
    valid = q >= 0
    pid = jnp.maximum(q, 0) // CPP
    dp = jnp.clip(pid - p_base, 0, P_SPAN - 1)
    s2 = jax.lax.dot_general(p4, c, (((1,), (1,)), ((), ())),
                             preferred_element_type=jnp.float32)
    cn2 = jax.lax.dot_general(jnp.ones((1, D), jnp.float32), c * c,
                              (((1,), (1,)), ((), ())),
                              preferred_element_type=jnp.float32)
    pn2_4 = jnp.sum(p4 * p4, axis=1, keepdims=True)
    pn_4 = jnp.sqrt(pn2_4)
    apr_4 = _aperture(pn_4)

    def _sel(tab):
        out = tab[0:1, :]
        for i in range(1, P_SPAN):
            out = jnp.where(dp == i, tab[i:i + 1, :], out)
        return out

    s = _sel(s2)
    pn2 = _sel(jnp.broadcast_to(pn2_4, (P_SPAN, BLK)))
    pn = _sel(jnp.broadcast_to(pn_4, (P_SPAN, BLK)))
    apr = _sel(jnp.broadcast_to(apr_4, (P_SPAN, BLK)))
    dn2 = cn2 - 2.0 * s + pn2
    dn = jnp.sqrt(dn2)
    num = cn2 - pn2 - dn2
    denom = 2.0 * pn * dn
    cosang = jnp.clip(num / (denom + EPS), -1.0 + EPS, 1.0 - EPS)
    e = jnp.maximum(_acos(cosang) - apr, 0.0)
    acc_ref[0, 0] += jnp.sum(jnp.where(valid, e, 0.0))

    @pl.when(k == GRID - 1)
    def _finish():
        ones = jnp.ones((1, D), jnp.float32)
        cdims = (((1,), (1,)), ((), ()))
        cneg = neg_ref[...]
        ptab = ptable_ref[...]
        pn2_row = jax.lax.dot_general(ones, ptab * ptab, cdims,
                                      preferred_element_type=jnp.float32)
        pn_row = jnp.sqrt(pn2_row)
        apr_row = _aperture(pn_row)
        rowj = jax.lax.broadcasted_iota(jnp.int32, (NEG_PAD, PT_PAD), 0)
        col = jax.lax.broadcasted_iota(jnp.int32, (NEG_PAD, PT_PAD), 1)
        onehot = (col == jnp.minimum(rowj // NUM_NEG, NUM_PARENTS - 1)
                  ).astype(jnp.float32)
        pneg = jnp.dot(onehot, ptab,
                       preferred_element_type=jnp.float32)
        s_n = jax.lax.dot_general(ones, cneg * pneg, cdims,
                                  preferred_element_type=jnp.float32)
        cn2_n = jax.lax.dot_general(ones, cneg * cneg, cdims,
                                    preferred_element_type=jnp.float32)
        pn2_n = jax.lax.dot_general(pn2_row, onehot, cdims,
                                    preferred_element_type=jnp.float32)
        pn_n = jax.lax.dot_general(pn_row, onehot, cdims,
                                   preferred_element_type=jnp.float32)
        apr_n = jax.lax.dot_general(apr_row, onehot, cdims,
                                    preferred_element_type=jnp.float32)
        dn2_n = cn2_n - 2.0 * s_n + pn2_n
        dn_n = jnp.sqrt(dn2_n)
        num_n = cn2_n - pn2_n - dn2_n
        denom_n = 2.0 * pn_n * dn_n
        cosang_n = jnp.clip(num_n / (denom_n + EPS), -1.0 + EPS, 1.0 - EPS)
        e_n = jnp.maximum(_acos(cosang_n) - apr_n, 0.0)
        jn = jax.lax.broadcasted_iota(jnp.int32, (1, NEG_PAD), 1)
        wn = jnp.where(jn < NEG, jnp.maximum(MARGIN - e_n, 0.0), 0.0)
        neg_sum = jnp.sum(wn)
        pos_mean = acc_ref[0, 0] / float(NUM_CLS - NUM_PARENTS)
        out_ref[0, 0] = 0.5 * (pos_mean + neg_sum / float(NEG))


def kernel(prototypes, pairs, neg_cand_flat, neg_ptrs):
    neg_rows = _sc_neg_gather_fn()(prototypes, jnp.asarray(_CID_FLAT))

    out = pl.pallas_call(
        _main_body,
        grid=(GRID,),
        in_specs=[
            pl.BlockSpec((PT_PAD, D), lambda k: (0, 0)),
            pl.BlockSpec((BLK, D), lambda k: (k, 0)),
            pl.BlockSpec((NEG_PAD, D), lambda k: (0, 0)),
        ],
        out_specs=pl.BlockSpec(memory_space=pltpu.SMEM),
        out_shape=jax.ShapeDtypeStruct((1, 1), jnp.float32),
        scratch_shapes=[pltpu.SMEM((1, 1), jnp.float32)],
        compiler_params=pltpu.CompilerParams(
            dimension_semantics=("arbitrary",)),
    )(prototypes, prototypes, neg_rows)
    return out[0, 0]

# --- scband reference (transcript-rebuilt; emitter-appended) ---
"""Pipeline reference for scband-entailment-cone-loss-12352325944063 (READ-ONLY COPY).

The authoritative reference and input builder live on the scoring server;
editing this copy changes nothing except your own understanding.
"""

import jax, jax.numpy as jnp
import numpy as np

NUM_PARENTS = 100
CHILDREN_PER_PARENT = 999
NUM_CLS = NUM_PARENTS + NUM_PARENTS * CHILDREN_PER_PARENT
D = 64
BETA = 0.1
LOSS_WEIGHT = 1.0
MARGIN = 0.1
NUM_NEG = 5
EPS = 1e-06


def _build_taxonomy_buffers():
    parents = np.repeat(np.arange(NUM_PARENTS), CHILDREN_PER_PARENT)
    children = NUM_PARENTS + np.arange(NUM_PARENTS * CHILDREN_PER_PARENT)
    pairs = np.stack([parents, children], axis=1).astype(np.int64)
    all_ids = np.arange(NUM_CLS)
    neg_lists = []
    sizes = np.zeros(NUM_CLS, dtype=np.int64)
    for p in range(NUM_PARENTS):
        mask = np.ones(NUM_CLS, dtype=bool)
        start = NUM_PARENTS + p * CHILDREN_PER_PARENT
        mask[start:start + CHILDREN_PER_PARENT] = False
        mask[p] = False
        cand = all_ids[mask]
        neg_lists.append(cand)
        sizes[p] = cand.size
    neg_cand_flat = np.concatenate(neg_lists).astype(np.int64)
    neg_ptrs = np.concatenate([np.zeros(1, dtype=np.int64), np.cumsum(sizes)]).astype(np.int64)
    return pairs, neg_cand_flat, neg_ptrs


def _energy(parent, child):
    # Euclidean entailment-cone energy (curvature == 0.0)
    p_norm = jnp.linalg.norm(parent, axis=-1)
    diff = child - parent
    diff_norm = jnp.linalg.norm(diff, axis=-1)
    num = jnp.square(child).sum(-1) - jnp.square(parent).sum(-1) - jnp.square(diff).sum(-1)
    denom = 2.0 * p_norm * diff_norm
    cosang = jnp.clip(num / (denom + EPS), -1.0 + EPS, 1.0 - EPS)
    angle = jnp.arccos(cosang)
    ap = BETA / (p_norm + EPS)
    aperture = jnp.arcsin(jnp.clip(ap, 0.0, 1.0 - EPS))
    return jax.nn.relu(angle - aperture)


def setup_inputs(seed: int = 0):
    key = jax.random.key(seed)
    prototypes = jax.random.normal(key, (NUM_CLS, D), dtype=jnp.float32)
    pairs, neg_cand_flat, neg_ptrs = _build_taxonomy_buffers()
    return {
        "prototypes": prototypes,
        "pairs": jnp.asarray(pairs),
        "neg_cand_flat": jnp.asarray(neg_cand_flat),
        "neg_ptrs": jnp.asarray(neg_ptrs),
    }


def _build_neg_pairs(pos, neg_cand_flat, neg_ptrs):
    p_idx_unique = jnp.unique(pos[:, 0], size=NUM_PARENTS)
    sizes = neg_ptrs[p_idx_unique + 1] - neg_ptrs[p_idx_unique]
    max_s = neg_cand_flat.shape[0] // NUM_PARENTS
    offsets = neg_ptrs[p_idx_unique]
    col = jnp.arange(max_s)
    gather_idx = jnp.clip(offsets[:, None] + col[None, :], 0, neg_cand_flat.shape[0] - 1)
    table = jnp.where(col[None, :] < sizes[:, None], neg_cand_flat[gather_idx], -1)
    n_parent = p_idx_unique.shape[0]
    rand = jax.random.uniform(jax.random.key(1), (n_parent, max_s))
    order = jnp.argsort(rand, axis=1)[:, :NUM_NEG]
    sel = jnp.take_along_axis(table, order, axis=1)
    parents_rep = jnp.repeat(p_idx_unique, NUM_NEG)
    neg_pairs = jnp.stack([parents_rep, sel.reshape(-1)], axis=1)
    valid_neg = neg_pairs[:, 1] >= 0
    return neg_pairs, valid_neg


def reference(prototypes, pairs, neg_cand_flat, neg_ptrs):
    num_cls = prototypes.shape[0]
    valid_pos = jnp.all(pairs < num_cls, axis=1)
    pos = jnp.where(valid_pos[:, None], pairs, 0)
    p_pos = prototypes[pos[:, 0]]
    c_pos = prototypes[pos[:, 1]]
    pos_e = _energy(p_pos, c_pos)
    w_pos = valid_pos.astype(pos_e.dtype)
    pos_energy = (pos_e * w_pos).sum() / w_pos.sum()
    neg_pairs, valid_neg = _build_neg_pairs(pos, neg_cand_flat, neg_ptrs)
    if neg_pairs.shape[0] > 0:
        p_neg = prototypes[jnp.where(valid_neg, neg_pairs[:, 0], 0)]
        c_neg = prototypes[jnp.where(valid_neg, neg_pairs[:, 1], 0)]
        neg_e = _energy(p_neg, c_neg)
        w_neg = valid_neg.astype(neg_e.dtype)
        neg_energy = (jax.nn.relu(MARGIN - neg_e) * w_neg).sum() / w_neg.sum()
    else:
        neg_energy = jnp.asarray(0.0, dtype=prototypes.dtype)
    return 0.5 * (pos_energy + neg_energy) * LOSS_WEIGHT

if __name__ == "__main__":
    import jax
    _d = setup_inputs()
    print(jax.jit(kernel)(*tuple(_d.values())))

</pallas_src>

<mosaic_0001>
#map = affine_map<(d0, d1) -> (0, 0)>
#map1 = affine_map<(d0, d1) -> (0)>
module attributes {stable_mosaic.version = 14 : i64} {
  func.func @_sc_neg_gather(%arg0: i32, %arg1: i32, %arg2: memref<100000x64xf32, #tpu.memory_space<hbm>>, %arg3: memref<512xi32, #tpu.memory_space<hbm>>, %arg4: memref<512x64xf32, #tpu.memory_space<hbm>>, %arg5: memref<16xi32, #tpu.memory_space<vmem>>, %arg6: memref<16x64xf32, #tpu.memory_space<vmem>>, %arg7: memref<!tpu.dma_semaphore, #tpu.memory_space<semaphore_mem>>) attributes {dimension_semantics = [#tpu.dimension_semantics<core_parallel>, #tpu.dimension_semantics<subcore_parallel>], iteration_bounds = array<i64: 2, 16>, scalar_prefetch = 0 : i64, scratch_operands = 3 : i64, tpu.core_type = #tpu.core_type<sc_vector_subcore>, window_params = [{transform_indices = #map}, {transform_indices = #map1}, {transform_indices = #map}]} {
    %mul3A = arith.constant 2 : i32
    %mul3A_0 = arith.muli %arg1, %mul3A : i32
    %add3A = arith.addi %mul3A_0, %arg0 : i32
    %mul3A_1 = arith.constant 16 : i32
    %mul3A_2 = arith.muli %add3A, %mul3A_1 : i32
    "tpu.region"() ({
      %run_scoped3A = tpu.sem_alloc : memref<!tpu.dma_semaphore, #tpu.memory_space<semaphore_mem>>
      %dma_start3A_353 = tpu.memref_slice %arg3[%mul3A_2] : memref<512xi32, #tpu.memory_space<hbm>> -> memref<16xi32, #tpu.memory_space<hbm>>
      %dma_start3A_354 = tpu.memref_slice %arg3[%mul3A_2] : memref<512xi32, #tpu.memory_space<hbm>> -> memref<16xi32, #tpu.memory_space<hbm>>
      tpu.enqueue_dma source(%dma_start3A_354 : memref<16xi32, #tpu.memory_space<hbm>>) target(%arg5 : memref<16xi32, #tpu.memory_space<vmem>>) target_semaphore(%run_scoped3A : memref<!tpu.dma_semaphore, #tpu.memory_space<semaphore_mem>>)
      %dma_wait3A_355 = tpu.memref_slice %arg3[%mul3A_2] : memref<512xi32, #tpu.memory_space<hbm>> -> memref<16xi32, #tpu.memory_space<hbm>>
      %dma_wait3A_356 = tpu.memref_slice %arg3[%mul3A_2] : memref<512xi32, #tpu.memory_space<hbm>> -> memref<16xi32, #tpu.memory_space<hbm>>
      tpu.wait_dma2 semaphore(%run_scoped3A : memref<!tpu.dma_semaphore, #tpu.memory_space<semaphore_mem>>) src(%dma_wait3A_356 : memref<16xi32, #tpu.memory_space<hbm>>) dst(%arg5 : memref<16xi32, #tpu.memory_space<vmem>>)
      tpu.yield
    }) : () -> ()
    %get3A = arith.constant 0 : index
    %get3A_3 = tpu.vector_load %arg5[%get3A] {strides = array<i32>} : memref<16xi32, #tpu.memory_space<vmem>>, vector<16xi32>,
    %get3A_4 = vector.shape_cast %get3A_3 : vector<16xi32> to vector<16xi32>
    %slice3A = vector.extract_strided_slice %get3A_4 {offsets = [0], sizes = [1], strides = [1]} : vector<16xi32> to vector<1xi32>
    %squeeze3A = vector.extract %slice3A[0] : i32 from vector<1xi32>
    %slice3A_5 = vector.extract_strided_slice %get3A_4 {offsets = [1], sizes = [1], strides = [1]} : vector<16xi32> to vector<1xi32>
    %squeeze3A_6 = vector.extract %slice3A_5[0] : i32 from vector<1xi32>
    %slice3A_7 = vector.extract_strided_slice %get3A_4 {offsets = [2], sizes = [1], strides = [1]} : vector<16xi32> to vector<1xi32>
    %squeeze3A_8 = vector.extract %slice3A_7[0] : i32 from vector<1xi32>
    %slice3A_9 = vector.extract_strided_slice %get3A_4 {offsets = [3], sizes = [1], strides = [1]} : vector<16xi32> to vector<1xi32>
    %squeeze3A_10 = vector.extract %slice3A_9[0] : i32 from vector<1xi32>
    %slice3A_11 = vector.extract_strided_slice %get3A_4 {offsets = [4], sizes = [1], strides = [1]} : vector<16xi32> to vector<1xi32>
    %squeeze3A_12 = vector.extract %slice3A_11[0] : i32 from vector<1xi32>
    %slice3A_13 = vector.extract_strided_slice %get3A_4 {offsets = [5], sizes = [1], strides = [1]} : vector<16xi32> to vector<1xi32>
    %squeeze3A_14 = vector.extract %slice3A_13[0] : i32 from vector<1xi32>
    %slice3A_15 = vector.extract_strided_slice %get3A_4 {offsets = [6], sizes = [1], strides = [1]} : vector<16xi32> to vector<1xi32>
    %squeeze3A_16 = vector.extract %slice3A_15[0] : i32 from vector<1xi32>
    %slice3A_17 = vector.extract_strided_slice %get3A_4 {offsets = [7], sizes = [1], strides = [1]} : vector<16xi32> to vector<1xi32>
    %squeeze3A_18 = vector.extract %slice3A_17[0] : i32 from vector<1xi32>
    %slice3A_19 = vector.extract_strided_slice %get3A_4 {offsets = [8], sizes = [1], strides = [1]} : vector<16xi32> to vector<1xi32>
    %squeeze3A_20 = vector.extract %slice3A_19[0] : i32 from vector<1xi32>
    %slice3A_21 = vector.extract_strided_slice %get3A_4 {offsets = [9], sizes = [1], strides = [1]} : vector<16xi32> to vector<1xi32>
    %squeeze3A_22 = vector.extract %slice3A_21[0] : i32 from vector<1xi32>
    %slice3A_23 = vector.extract_strided_slice %get3A_4 {offsets = [10], sizes = [1], strides = [1]} : vector<16xi32> to vector<1xi32>
    %squeeze3A_24 = vector.extract %slice3A_23[0] : i32 from vector<1xi32>
    %slice3A_25 = vector.extract_strided_slice %get3A_4 {offsets = [11], sizes = [1], strides = [1]} : vector<16xi32> to vector<1xi32>
    %squeeze3A_26 = vector.extract %slice3A_25[0] : i32 from vector<1xi32>
    %slice3A_27 = vector.extract_strided_slice %get3A_4 {offsets = [12], sizes = [1], strides = [1]} : vector<16xi32> to vector<1xi32>
    %squeeze3A_28 = vector.extract %slice3A_27[0] : i32 from vector<1xi32>
    %slice3A_29 = vector.extract_strided_slice %get3A_4 {offsets = [13], sizes = [1], strides = [1]} : vector<16xi32> to vector<1xi32>
    %squeeze3A_30 = vector.extract %slice3A_29[0] : i32 from vector<1xi32>
    %slice3A_31 = vector.extract_strided_slice %get3A_4 {offsets = [14], sizes = [1], strides = [1]} : vector<16xi32> to vector<1xi32>
    %squeeze3A_32 = vector.extract %slice3A_31[0] : i32 from vector<1xi32>
    %slice3A_33 = vector.extract_strided_slice %get3A_4 {offsets = [15], sizes = [1], strides = [1]} : vector<16xi32> to vector<1xi32>
    %squeeze3A_34 = vector.extract %slice3A_33[0] : i32 from vector<1xi32>
    %dma_start3A = arith.constant 0 : i32
    %dma_start3A_35 = arith.constant 0 : i32
    %dma_start3A_36 = tpu.memref_slice %arg6[%dma_start3A, %dma_start3A_35] : memref<16x64xf32, #tpu.memory_space<vmem>> -> memref<1x64xf32, #tpu.memory_space<vmem>>
    %dma_start3A_37 = arith.constant 0 : i32
    %dma_start3A_38 = tpu.memref_slice %arg2[%squeeze3A, %dma_start3A_37] : memref<100000x64xf32, #tpu.memory_space<hbm>> -> memref<1x64xf32, #tpu.memory_space<hbm>>
    %dma_start3A_39 = arith.constant 0 : i32
    %dma_start3A_40 = arith.constant 0 : i32
    %dma_start3A_41 = tpu.memref_slice %arg6[%dma_start3A_39, %dma_start3A_40] : memref<16x64xf32, #tpu.memory_space<vmem>> -> memref<1x64xf32, #tpu.memory_space<vmem>>
    %dma_start3A_42 = arith.constant 0 : i32
    %dma_start3A_43 = tpu.memref_slice %arg2[%squeeze3A, %dma_start3A_42] : memref<100000x64xf32, #tpu.memory_space<hbm>> -> memref<1x64xf32, #tpu.memory_space<hbm>>
    tpu.enqueue_dma source(%dma_start3A_43 : memref<1x64xf32, #tpu.memory_space<hbm>>) target(%dma_start3A_41 : memref<1x64xf32, #tpu.memory_space<vmem>>) target_semaphore(%arg7 : memref<!tpu.dma_semaphore, #tpu.memory_space<semaphore_mem>>)
    %dma_start3A_44 = arith.constant 1 : i32
    %dma_start3A_45 = arith.constant 0 : i32
    %dma_start3A_46 = tpu.memref_slice %arg6[%dma_start3A_44, %dma_start3A_45] : memref<16x64xf32, #tpu.memory_space<vmem>> -> memref<1x64xf32, #tpu.memory_space<vmem>>
    %dma_start3A_47 = arith.constant 0 : i32
    %dma_start3A_48 = tpu.memref_slice %arg2[%squeeze3A_6, %dma_start3A_47] : memref<100000x64xf32, #tpu.memory_space<hbm>> -> memref<1x64xf32, #tpu.memory_space<hbm>>
    %dma_start3A_49 = arith.constant 1 : i32
    %dma_start3A_50 = arith.constant 0 : i32
    %dma_start3A_51 = tpu.memref_slice %arg6[%dma_start3A_49, %dma_start3A_50] : memref<16x64xf32, #tpu.memory_space<vmem>> -> memref<1x64xf32, #tpu.memory_space<vmem>>
    %dma_start3A_52 = arith.constant 0 : i32
    %dma_start3A_53 = tpu.memref_slice %arg2[%squeeze3A_6, %dma_start3A_52] : memref<100000x64xf32, #tpu.memory_space<hbm>> -> memref<1x64xf32, #tpu.memory_space<hbm>>
    tpu.enqueue_dma source(%dma_start3A_53 : memref<1x64xf32, #tpu.memory_space<hbm>>) target(%dma_start3A_51 : memref<1x64xf32, #tpu.memory_space<vmem>>) target_semaphore(%arg7 : memref<!tpu.dma_semaphore, #tpu.memory_space<semaphore_mem>>)
    %dma_start3A_54 = arith.constant 2 : i32
    %dma_start3A_55 = arith.constant 0 : i32
    %dma_start3A_56 = tpu.memref_slice %arg6[%dma_start3A_54, %dma_start3A_55] : memref<16x64xf32, #tpu.memory_space<vmem>> -> memref<1x64xf32, #tpu.memory_space<vmem>>
    %dma_start3A_57 = arith.constant 0 : i32
    %dma_start3A_58 = tpu.memref_slice %arg2[%squeeze3A_8, %dma_start3A_57] : memref<100000x64xf32, #tpu.memory_space<hbm>> -> memref<1x64xf32, #tpu.memory_space<hbm>>
    %dma_start3A_59 = arith.constant 2 : i32
    %dma_start3A_60 = arith.constant 0 : i32
    %dma_start3A_61 = tpu.memref_slice %arg6[%dma_start3A_59, %dma_start3A_60] : memref<16x64xf32, #tpu.memory_space<vmem>> -> memref<1x64xf32, #tpu.memory_space<vmem>>
    %dma_start3A_62 = arith.constant 0 : i32
    %dma_start3A_63 = tpu.memref_slice %arg2[%squeeze3A_8, %dma_start3A_62] : memref<100000x64xf32, #tpu.memory_space<hbm>> -> memref<1x64xf32, #tpu.memory_space<hbm>>
    tpu.enqueue_dma source(%dma_start3A_63 : memref<1x64xf32, #tpu.memory_space<hbm>>) target(%dma_start3A_61 : memref<1x64xf32, #tpu.memory_space<vmem>>) target_semaphore(%arg7 : memref<!tpu.dma_semaphore, #tpu.memory_space<semaphore_mem>>)
    %dma_start3A_64 = arith.constant 3 : i32
    %dma_start3A_65 = arith.constant 0 : i32
    %dma_start3A_66 = tpu.memref_slice %arg6[%dma_start3A_64, %dma_start3A_65] : memref<16x64xf32, #tpu.memory_space<vmem>> -> memref<1x64xf32, #tpu.memory_space<vmem>>
    %dma_start3A_67 = arith.constant 0 : i32
    %dma_start3A_68 = tpu.memref_slice %arg2[%squeeze3A_10, %dma_start3A_67] : memref<100000x64xf32, #tpu.memory_space<hbm>> -> memref<1x64xf32, #tpu.memory_space<hbm>>
    %dma_start3A_69 = arith.constant 3 : i32
    %dma_start3A_70 = arith.constant 0 : i32
    %dma_start3A_71 = tpu.memref_slice %arg6[%dma_start3A_69, %dma_start3A_70] : memref<16x64xf32, #tpu.memory_space<vmem>> -> memref<1x64xf32, #tpu.memory_space<vmem>>
    %dma_start3A_72 = arith.constant 0 : i32
    %dma_start3A_73 = tpu.memref_slice %arg2[%squeeze3A_10, %dma_start3A_72] : memref<100000x64xf32, #tpu.memory_space<hbm>> -> memref<1x64xf32, #tpu.memory_space<hbm>>
    tpu.enqueue_dma source(%dma_start3A_73 : memref<1x64xf32, #tpu.memory_space<hbm>>) target(%dma_start3A_71 : memref<1x64xf32, #tpu.memory_space<vmem>>) target_semaphore(%arg7 : memref<!tpu.dma_semaphore, #tpu.memory_space<semaphore_mem>>)
    %dma_start3A_74 = arith.constant 4 : i32
    %dma_start3A_75 = arith.constant 0 : i32
    %dma_start3A_76 = tpu.memref_slice %arg6[%dma_start3A_74, %dma_start3A_75] : memref<16x64xf32, #tpu.memory_space<vmem>> -> memref<1x64xf32, #tpu.memory_space<vmem>>
    %dma_start3A_77 = arith.constant 0 : i32
    %dma_start3A_78 = tpu.memref_slice %arg2[%squeeze3A_12, %dma_start3A_77] : memref<100000x64xf32, #tpu.memory_space<hbm>> -> memref<1x64xf32, #tpu.memory_space<hbm>>
    %dma_start3A_79 = arith.constant 4 : i32
    %dma_start3A_80 = arith.constant 0 : i32
    %dma_start3A_81 = tpu.memref_slice %arg6[%dma_start3A_79, %dma_start3A_80] : memref<16x64xf32, #tpu.memory_space<vmem>> -> memref<1x64xf32, #tpu.memory_space<vmem>>
    %dma_start3A_82 = arith.constant 0 : i32
    %dma_start3A_83 = tpu.memref_slice %arg2[%squeeze3A_12, %dma_start3A_82] : memref<100000x64xf32, #tpu.memory_space<hbm>> -> memref<1x64xf32, #tpu.memory_space<hbm>>
    tpu.enqueue_dma source(%dma_start3A_83 : memref<1x64xf32, #tpu.memory_space<hbm>>) target(%dma_start3A_81 : memref<1x64xf32, #tpu.memory_space<vmem>>) target_semaphore(%arg7 : memref<!tpu.dma_semaphore, #tpu.memory_space<semaphore_mem>>)
    %dma_start3A_84 = arith.constant 5 : i32
    %dma_start3A_85 = arith.constant 0 : i32
    %dma_start3A_86 = tpu.memref_slice %arg6[%dma_start3A_84, %dma_start3A_85] : memref<16x64xf32, #tpu.memory_space<vmem>> -> memref<1x64xf32, #tpu.memory_space<vmem>>
    %dma_start3A_87 = arith.constant 0 : i32
    %dma_start3A_88 = tpu.memref_slice %arg2[%squeeze3A_14, %dma_start3A_87] : memref<100000x64xf32, #tpu.memory_space<hbm>> -> memref<1x64xf32, #tpu.memory_space<hbm>>
    %dma_start3A_89 = arith.constant 5 : i32
    %dma_start3A_90 = arith.constant 0 : i32
    %dma_start3A_91 = tpu.memref_slice %arg6[%dma_start3A_89, %dma_start3A_90] : memref<16x64xf32, #tpu.memory_space<vmem>> -> memref<1x64xf32, #tpu.memory_space<vmem>>
    %dma_start3A_92 = arith.constant 0 : i32
    %dma_start3A_93 = tpu.memref_slice %arg2[%squeeze3A_14, %dma_start3A_92] : memref<100000x64xf32, #tpu.memory_space<hbm>> -> memref<1x64xf32, #tpu.memory_space<hbm>>
    tpu.enqueue_dma source(%dma_start3A_93 : memref<1x64xf32, #tpu.memory_space<hbm>>) target(%dma_start3A_91 : memref<1x64xf32, #tpu.memory_space<vmem>>) target_semaphore(%arg7 : memref<!tpu.dma_semaphore, #tpu.memory_space<semaphore_mem>>)
    %dma_start3A_94 = arith.constant 6 : i32
    %dma_start3A_95 = arith.constant 0 : i32
    %dma_start3A_96 = tpu.memref_slice %arg6[%dma_start3A_94, %dma_start3A_95] : memref<16x64xf32, #tpu.memory_space<vmem>> -> memref<1x64xf32, #tpu.memory_space<vmem>>
    %dma_start3A_97 = arith.constant 0 : i32
    %dma_start3A_98 = tpu.memref_slice %arg2[%squeeze3A_16, %dma_start3A_97] : memref<100000x64xf32, #tpu.memory_space<hbm>> -> memref<1x64xf32, #tpu.memory_space<hbm>>
    %dma_start3A_99 = arith.constant 6 : i32
    %dma_start3A_100 = arith.constant 0 : i32
    %dma_start3A_101 = tpu.memref_slice %arg6[%dma_start3A_99, %dma_start3A_100] : memref<16x64xf32, #tpu.memory_space<vmem>> -> memref<1x64xf32, #tpu.memory_space<vmem>>
    %dma_start3A_102 = arith.constant 0 : i32
    %dma_start3A_103 = tpu.memref_slice %arg2[%squeeze3A_16, %dma_start3A_102] : memref<100000x64xf32, #tpu.memory_space<hbm>> -> memref<1x64xf32, #tpu.memory_space<hbm>>
    tpu.enqueue_dma source(%dma_start3A_103 : memref<1x64xf32, #tpu.memory_space<hbm>>) target(%dma_start3A_101 : memref<1x64xf32, #tpu.memory_space<vmem>>) target_semaphore(%arg7 : memref<!tpu.dma_semaphore, #tpu.memory_space<semaphore_mem>>)
    %dma_start3A_104 = arith.constant 7 : i32
    %dma_start3A_105 = arith.constant 0 : i32
    %dma_start3A_106 = tpu.memref_slice %arg6[%dma_start3A_104, %dma_start3A_105] : memref<16x64xf32, #tpu.memory_space<vmem>> -> memref<1x64xf32, #tpu.memory_space<vmem>>
    %dma_start3A_107 = arith.constant 0 : i32
    %dma_start3A_108 = tpu.memref_slice %arg2[%squeeze3A_18, %dma_start3A_107] : memref<100000x64xf32, #tpu.memory_space<hbm>> -> memref<1x64xf32, #tpu.memory_space<hbm>>
    %dma_start3A_109 = arith.constant 7 : i32
    %dma_start3A_110 = arith.constant 0 : i32
    %dma_start3A_111 = tpu.memref_slice %arg6[%dma_start3A_109, %dma_start3A_110] : memref<16x64xf32, #tpu.memory_space<vmem>> -> memref<1x64xf32, #tpu.memory_space<vmem>>
    %dma_start3A_112 = arith.constant 0 : i32
    %dma_start3A_113 = tpu.memref_slice %arg2[%squeeze3A_18, %dma_start3A_112] : memref<100000x64xf32, #tpu.memory_space<hbm>> -> memref<1x64xf32, #tpu.memory_space<hbm>>
    tpu.enqueue_dma source(%dma_start3A_113 : memref<1x64xf32, #tpu.memory_space<hbm>>) target(%dma_start3A_111 : memref<1x64xf32, #tpu.memory_space<vmem>>) target_semaphore(%arg7 : memref<!tpu.dma_semaphore, #tpu.memory_space<semaphore_mem>>)
    %dma_start3A_114 = arith.constant 8 : i32
    %dma_start3A_115 = arith.constant 0 : i32
    %dma_start3A_116 = tpu.memref_slice %arg6[%dma_start3A_114, %dma_start3A_115] : memref<16x64xf32, #tpu.memory_space<vmem>> -> memref<1x64xf32, #tpu.memory_space<vmem>>
    %dma_start3A_117 = arith.constant 0 : i32
    %dma_start3A_118 = tpu.memref_slice %arg2[%squeeze3A_20, %dma_start3A_117] : memref<100000x64xf32, #tpu.memory_space<hbm>> -> memref<1x64xf32, #tpu.memory_space<hbm>>
    %dma_start3A_119 = arith.constant 8 : i32
    %dma_start3A_120 = arith.constant 0 : i32
    %dma_start3A_121 = tpu.memref_slice %arg6[%dma_start3A_119, %dma_start3A_120] : memref<16x64xf32, #tpu.memory_space<vmem>> -> memref<1x64xf32, #tpu.memory_space<vmem>>
    %dma_start3A_122 = arith.constant 0 : i32
    %dma_start3A_123 = tpu.memref_slice %arg2[%squeeze3A_20, %dma_start3A_122] : memref<100000x64xf32, #tpu.memory_space<hbm>> -> memref<1x64xf32, #tpu.memory_space<hbm>>
    tpu.enqueue_dma source(%dma_start3A_123 : memref<1x64xf32, #tpu.memory_space<hbm>>) target(%dma_start3A_121 : memref<1x64xf32, #tpu.memory_space<vmem>>) target_semaphore(%arg7 : memref<!tpu.dma_semaphore, #tpu.memory_space<semaphore_mem>>)
    %dma_start3A_124 = arith.constant 9 : i32
    %dma_start3A_125 = arith.constant 0 : i32
    %dma_start3A_126 = tpu.memref_slice %arg6[%dma_start3A_124, %dma_start3A_125] : memref<16x64xf32, #tpu.memory_space<vmem>> -> memref<1x64xf32, #tpu.memory_space<vmem>>
    %dma_start3A_127 = arith.constant 0 : i32
    %dma_start3A_128 = tpu.memref_slice %arg2[%squeeze3A_22, %dma_start3A_127] : memref<100000x64xf32, #tpu.memory_space<hbm>> -> memref<1x64xf32, #tpu.memory_space<hbm>>
    %dma_start3A_129 = arith.constant 9 : i32
    %dma_start3A_130 = arith.constant 0 : i32
    %dma_start3A_131 = tpu.memref_slice %arg6[%dma_start3A_129, %dma_start3A_130] : memref<16x64xf32, #tpu.memory_space<vmem>> -> memref<1x64xf32, #tpu.memory_space<vmem>>
    %dma_start3A_132 = arith.constant 0 : i32
    %dma_start3A_133 = tpu.memref_slice %arg2[%squeeze3A_22, %dma_start3A_132] : memref<100000x64xf32, #tpu.memory_space<hbm>> -> memref<1x64xf32, #tpu.memory_space<hbm>>
    tpu.enqueue_dma source(%dma_start3A_133 : memref<1x64xf32, #tpu.memory_space<hbm>>) target(%dma_start3A_131 : memref<1x64xf32, #tpu.memory_space<vmem>>) target_semaphore(%arg7 : memref<!tpu.dma_semaphore, #tpu.memory_space<semaphore_mem>>)
    %dma_start3A_134 = arith.constant 10 : i32
    %dma_start3A_135 = arith.constant 0 : i32
    %dma_start3A_136 = tpu.memref_slice %arg6[%dma_start3A_134, %dma_start3A_135] : memref<16x64xf32, #tpu.memory_space<vmem>> -> memref<1x64xf32, #tpu.memory_space<vmem>>
    %dma_start3A_137 = arith.constant 0 : i32
    %dma_start3A_138 = tpu.memref_slice %arg2[%squeeze3A_24, %dma_start3A_137] : memref<100000x64xf32, #tpu.memory_space<hbm>> -> memref<1x64xf32, #tpu.memory_space<hbm>>
    %dma_start3A_139 = arith.constant 10 : i32
    %dma_start3A_140 = arith.constant 0 : i32
    %dma_start3A_141 = tpu.memref_slice %arg6[%dma_start3A_139, %dma_start3A_140] : memref<16x64xf32, #tpu.memory_space<vmem>> -> memref<1x64xf32, #tpu.memory_space<vmem>>
    %dma_start3A_142 = arith.constant 0 : i32
    %dma_start3A_143 = tpu.memref_slice %arg2[%squeeze3A_24, %dma_start3A_142] : memref<100000x64xf32, #tpu.memory_space<hbm>> -> memref<1x64xf32, #tpu.memory_space<hbm>>
    tpu.enqueue_dma source(%dma_start3A_143 : memref<1x64xf32, #tpu.memory_space<hbm>>) target(%dma_start3A_141 : memref<1x64xf32, #tpu.memory_space<vmem>>) target_semaphore(%arg7 : memref<!tpu.dma_semaphore, #tpu.memory_space<semaphore_mem>>)
    %dma_start3A_144 = arith.constant 11 : i32
    %dma_start3A_145 = arith.constant 0 : i32
    %dma_start3A_146 = tpu.memref_slice %arg6[%dma_start3A_144, %dma_start3A_145] : memref<16x64xf32, #tpu.memory_space<vmem>> -> memref<1x64xf32, #tpu.memory_space<vmem>>
    %dma_start3A_147 = arith.constant 0 : i32
    %dma_start3A_148 = tpu.memref_slice %arg2[%squeeze3A_26, %dma_start3A_147] : memref<100000x64xf32, #tpu.memory_space<hbm>> -> memref<1x64xf32, #tpu.memory_space<hbm>>
    %dma_start3A_149 = arith.constant 11 : i32
    %dma_start3A_150 = arith.constant 0 : i32
    %dma_start3A_151 = tpu.memref_slice %arg6[%dma_start3A_149, %dma_start3A_150] : memref<16x64xf32, #tpu.memory_space<vmem>> -> memref<1x64xf32, #tpu.memory_space<vmem>>
    %dma_start3A_152 = arith.constant 0 : i32
    %dma_start3A_153 = tpu.memref_slice %arg2[%squeeze3A_26, %dma_start3A_152] : memref<100000x64xf32, #tpu.memory_space<hbm>> -> memref<1x64xf32, #tpu.memory_space<hbm>>
    tpu.enqueue_dma source(%dma_start3A_153 : memref<1x64xf32, #tpu.memory_space<hbm>>) target(%dma_start3A_151 : memref<1x64xf32, #tpu.memory_space<vmem>>) target_semaphore(%arg7 : memref<!tpu.dma_semaphore, #tpu.memory_space<semaphore_mem>>)
    %dma_start3A_154 = arith.constant 12 : i32
    %dma_start3A_155 = arith.constant 0 : i32
    %dma_start3A_156 = tpu.memref_slice %arg6[%dma_start3A_154, %dma_start3A_155] : memref<16x64xf32, #tpu.memory_space<vmem>> -> memref<1x64xf32, #tpu.memory_space<vmem>>
    %dma_start3A_157 = arith.constant 0 : i32
    %dma_start3A_158 = tpu.memref_slice %arg2[%squeeze3A_28, %dma_start3A_157] : memref<100000x64xf32, #tpu.memory_space<hbm>> -> memref<1x64xf32, #tpu.memory_space<hbm>>
    %dma_start3A_159 = arith.constant 12 : i32
    %dma_start3A_160 = arith.constant 0 : i32
    %dma_start3A_161 = tpu.memref_slice %arg6[%dma_start3A_159, %dma_start3A_160] : memref<16x64xf32, #tpu.memory_space<vmem>> -> memref<1x64xf32, #tpu.memory_space<vmem>>
    %dma_start3A_162 = arith.constant 0 : i32
    %dma_start3A_163 = tpu.memref_slice %arg2[%squeeze3A_28, %dma_start3A_162] : memref<100000x64xf32, #tpu.memory_space<hbm>> -> memref<1x64xf32, #tpu.memory_space<hbm>>
    tpu.enqueue_dma source(%dma_start3A_163 : memref<1x64xf32, #tpu.memory_space<hbm>>) target(%dma_start3A_161 : memref<1x64xf32, #tpu.memory_space<vmem>>) target_semaphore(%arg7 : memref<!tpu.dma_semaphore, #tpu.memory_space<semaphore_mem>>)
    %dma_start3A_164 = arith.constant 13 : i32
    %dma_start3A_165 = arith.constant 0 : i32
    %dma_start3A_166 = tpu.memref_slice %arg6[%dma_start3A_164, %dma_start3A_165] : memref<16x64xf32, #tpu.memory_space<vmem>> -> memref<1x64xf32, #tpu.memory_space<vmem>>
    %dma_start3A_167 = arith.constant 0 : i32
    %dma_start3A_168 = tpu.memref_slice %arg2[%squeeze3A_30, %dma_start3A_167] : memref<100000x64xf32, #tpu.memory_space<hbm>> -> memref<1x64xf32, #tpu.memory_space<hbm>>
    %dma_start3A_169 = arith.constant 13 : i32
    %dma_start3A_170 = arith.constant 0 : i32
    %dma_start3A_171 = tpu.memref_slice %arg6[%dma_start3A_169, %dma_start3A_170] : memref<16x64xf32, #tpu.memory_space<vmem>> -> memref<1x64xf32, #tpu.memory_space<vmem>>
    %dma_start3A_172 = arith.constant 0 : i32
    %dma_start3A_173 = tpu.memref_slice %arg2[%squeeze3A_30, %dma_start3A_172] : memref<100000x64xf32, #tpu.memory_space<hbm>> -> memref<1x64xf32, #tpu.memory_space<hbm>>
    tpu.enqueue_dma source(%dma_start3A_173 : memref<1x64xf32, #tpu.memory_space<hbm>>) target(%dma_start3A_171 : memref<1x64xf32, #tpu.memory_space<vmem>>) target_semaphore(%arg7 : memref<!tpu.dma_semaphore, #tpu.memory_space<semaphore_mem>>)
    %dma_start3A_174 = arith.constant 14 : i32
    %dma_start3A_175 = arith.constant 0 : i32
    %dma_start3A_176 = tpu.memref_slice %arg6[%dma_start3A_174, %dma_start3A_175] : memref<16x64xf32, #tpu.memory_space<vmem>> -> memref<1x64xf32, #tpu.memory_space<vmem>>
    %dma_start3A_177 = arith.constant 0 : i32
    %dma_start3A_178 = tpu.memref_slice %arg2[%squeeze3A_32, %dma_start3A_177] : memref<100000x64xf32, #tpu.memory_space<hbm>> -> memref<1x64xf32, #tpu.memory_space<hbm>>
    %dma_start3A_179 = arith.constant 14 : i32
    %dma_start3A_180 = arith.constant 0 : i32
    %dma_start3A_181 = tpu.memref_slice %arg6[%dma_start3A_179, %dma_start3A_180] : memref<16x64xf32, #tpu.memory_space<vmem>> -> memref<1x64xf32, #tpu.memory_space<vmem>>
    %dma_start3A_182 = arith.constant 0 : i32
    %dma_start3A_183 = tpu.memref_slice %arg2[%squeeze3A_32, %dma_start3A_182] : memref<100000x64xf32, #tpu.memory_space<hbm>> -> memref<1x64xf32, #tpu.memory_space<hbm>>
    tpu.enqueue_dma source(%dma_start3A_183 : memref<1x64xf32, #tpu.memory_space<hbm>>) target(%dma_start3A_181 : memref<1x64xf32, #tpu.memory_space<vmem>>) target_semaphore(%arg7 : memref<!tpu.dma_semaphore, #tpu.memory_space<semaphore_mem>>)
    %dma_start3A_184 = arith.constant 15 : i32
    %dma_start3A_185 = arith.constant 0 : i32
    %dma_start3A_186 = tpu.memref_slice %arg6[%dma_start3A_184, %dma_start3A_185] : memref<16x64xf32, #tpu.memory_space<vmem>> -> memref<1x64xf32, #tpu.memory_space<vmem>>
    %dma_start3A_187 = arith.constant 0 : i32
    %dma_start3A_188 = tpu.memref_slice %arg2[%squeeze3A_34, %dma_start3A_187] : memref<100000x64xf32, #tpu.memory_space<hbm>> -> memref<1x64xf32, #tpu.memory_space<hbm>>
    %dma_start3A_189 = arith.constant 15 : i32
    %dma_start3A_190 = arith.constant 0 : i32
    %dma_start3A_191 = tpu.memref_slice %arg6[%dma_start3A_189, %dma_start3A_190] : memref<16x64xf32, #tpu.memory_space<vmem>> -> memref<1x64xf32, #tpu.memory_space<vmem>>
    %dma_start3A_192 = arith.constant 0 : i32
    %dma_start3A_193 = tpu.memref_slice %arg2[%squeeze3A_34, %dma_start3A_192] : memref<100000x64xf32, #tpu.memory_space<hbm>> -> memref<1x64xf32, #tpu.memory_space<hbm>>
    tpu.enqueue_dma source(%dma_start3A_193 : memref<1x64xf32, #tpu.memory_space<hbm>>) target(%dma_start3A_191 : memref<1x64xf32, #tpu.memory_space<vmem>>) target_semaphore(%arg7 : memref<!tpu.dma_semaphore, #tpu.memory_space<semaphore_mem>>)
    %dma_wait3A = arith.constant 0 : i32
    %dma_wait3A_194 = arith.constant 0 : i32
    %dma_wait3A_195 = tpu.memref_slice %arg6[%dma_wait3A, %dma_wait3A_194] : memref<16x64xf32, #tpu.memory_space<vmem>> -> memref<1x64xf32, #tpu.memory_space<vmem>>
    %dma_wait3A_196 = arith.constant 0 : i32
    %dma_wait3A_197 = tpu.memref_slice %arg2[%squeeze3A, %dma_wait3A_196] : memref<100000x64xf32, #tpu.memory_space<hbm>> -> memref<1x64xf32, #tpu.memory_space<hbm>>
    %dma_wait3A_198 = arith.constant 0 : i32
    %dma_wait3A_199 = arith.constant 0 : i32
    %dma_wait3A_200 = tpu.memref_slice %arg6[%dma_wait3A_198, %dma_wait3A_199] : memref<16x64xf32, #tpu.memory_space<vmem>> -> memref<1x64xf32, #tpu.memory_space<vmem>>
    %dma_wait3A_201 = arith.constant 0 : i32
    %dma_wait3A_202 = tpu.memref_slice %arg2[%squeeze3A, %dma_wait3A_201] : memref<100000x64xf32, #tpu.memory_space<hbm>> -> memref<1x64xf32, #tpu.memory_space<hbm>>
    tpu.wait_dma2 semaphore(%arg7 : memref<!tpu.dma_semaphore, #tpu.memory_space<semaphore_mem>>) src(%dma_wait3A_202 : memref<1x64xf32, #tpu.memory_space<hbm>>) dst(%dma_wait3A_200 : memref<1x64xf32, #tpu.memory_space<vmem>>)
    %dma_wait3A_203 = arith.constant 1 : i32
    %dma_wait3A_204 = arith.constant 0 : i32
    %dma_wait3A_205 = tpu.memref_slice %arg6[%dma_wait3A_203, %dma_wait3A_204] : memref<16x64xf32, #tpu.memory_space<vmem>> -> memref<1x64xf32, #tpu.memory_space<vmem>>
    %dma_wait3A_206 = arith.constant 0 : i32
    %dma_wait3A_207 = tpu.memref_slice %arg2[%squeeze3A_6, %dma_wait3A_206] : memref<100000x64xf32, #tpu.memory_space<hbm>> -> memref<1x64xf32, #tpu.memory_space<hbm>>
    %dma_wait3A_208 = arith.constant 1 : i32
    %dma_wait3A_209 = arith.constant 0 : i32
    %dma_wait3A_210 = tpu.memref_slice %arg6[%dma_wait3A_208, %dma_wait3A_209] : memref<16x64xf32, #tpu.memory_space<vmem>> -> memref<1x64xf32, #tpu.memory_space<vmem>>
    %dma_wait3A_211 = arith.constant 0 : i32
    %dma_wait3A_212 = tpu.memref_slice %arg2[%squeeze3A_6, %dma_wait3A_211] : memref<100000x64xf32, #tpu.memory_space<hbm>> -> memref<1x64xf32, #tpu.memory_space<hbm>>
    tpu.wait_dma2 semaphore(%arg7 : memref<!tpu.dma_semaphore, #tpu.memory_space<semaphore_mem>>) src(%dma_wait3A_212 : memref<1x64xf32, #tpu.memory_space<hbm>>) dst(%dma_wait3A_210 : memref<1x64xf32, #tpu.memory_space<vmem>>)
    %dma_wait3A_213 = arith.constant 2 : i32
    %dma_wait3A_214 = arith.constant 0 : i32
    %dma_wait3A_215 = tpu.memref_slice %arg6[%dma_wait3A_213, %dma_wait3A_214] : memref<16x64xf32, #tpu.memory_space<vmem>> -> memref<1x64xf32, #tpu.memory_space<vmem>>
    %dma_wait3A_216 = arith.constant 0 : i32
    %dma_wait3A_217 = tpu.memref_slice %arg2[%squeeze3A_8, %dma_wait3A_216] : memref<100000x64xf32, #tpu.memory_space<hbm>> -> memref<1x64xf32, #tpu.memory_space<hbm>>
    %dma_wait3A_218 = arith.constant 2 : i32
    %dma_wait3A_219 = arith.constant 0 : i32
    %dma_wait3A_220 = tpu.memref_slice %arg6[%dma_wait3A_218, %dma_wait3A_219] : memref<16x64xf32, #tpu.memory_space<vmem>> -> memref<1x64xf32, #tpu.memory_space<vmem>>
    %dma_wait3A_221 = arith.constant 0 : i32
    %dma_wait3A_222 = tpu.memref_slice %arg2[%squeeze3A_8, %dma_wait3A_221] : memref<100000x64xf32, #tpu.memory_space<hbm>> -> memref<1x64xf32, #tpu.memory_space<hbm>>
    tpu.wait_dma2 semaphore(%arg7 : memref<!tpu.dma_semaphore, #tpu.memory_space<semaphore_mem>>) src(%dma_wait3A_222 : memref<1x64xf32, #tpu.memory_space<hbm>>) dst(%dma_wait3A_220 : memref<1x64xf32, #tpu.memory_space<vmem>>)
    %dma_wait3A_223 = arith.constant 3 : i32
    %dma_wait3A_224 = arith.constant 0 : i32
    %dma_wait3A_225 = tpu.memref_slice %arg6[%dma_wait3A_223, %dma_wait3A_224] : memref<16x64xf32, #tpu.memory_space<vmem>> -> memref<1x64xf32, #tpu.memory_space<vmem>>
    %dma_wait3A_226 = arith.constant 0 : i32
    %dma_wait3A_227 = tpu.memref_slice %arg2[%squeeze3A_10, %dma_wait3A_226] : memref<100000x64xf32, #tpu.memory_space<hbm>> -> memref<1x64xf32, #tpu.memory_space<hbm>>
    %dma_wait3A_228 = arith.constant 3 : i32
    %dma_wait3A_229 = arith.constant 0 : i32
    %dma_wait3A_230 = tpu.memref_slice %arg6[%dma_wait3A_228, %dma_wait3A_229] : memref<16x64xf32, #tpu.memory_space<vmem>> -> memref<1x64xf32, #tpu.memory_space<vmem>>
    %dma_wait3A_231 = arith.constant 0 : i32
    %dma_wait3A_232 = tpu.memref_slice %arg2[%squeeze3A_10, %dma_wait3A_231] : memref<100000x64xf32, #tpu.memory_space<hbm>> -> memref<1x64xf32, #tpu.memory_space<hbm>>
    tpu.wait_dma2 semaphore(%arg7 : memref<!tpu.dma_semaphore, #tpu.memory_space<semaphore_mem>>) src(%dma_wait3A_232 : memref<1x64xf32, #tpu.memory_space<hbm>>) dst(%dma_wait3A_230 : memref<1x64xf32, #tpu.memory_space<vmem>>)
    %dma_wait3A_233 = arith.constant 4 : i32
    %dma_wait3A_234 = arith.constant 0 : i32
    %dma_wait3A_235 = tpu.memref_slice %arg6[%dma_wait3A_233, %dma_wait3A_234] : memref<16x64xf32, #tpu.memory_space<vmem>> -> memref<1x64xf32, #tpu.memory_space<vmem>>
    %dma_wait3A_236 = arith.constant 0 : i32
    %dma_wait3A_237 = tpu.memref_slice %arg2[%squeeze3A_12, %dma_wait3A_236] : memref<100000x64xf32, #tpu.memory_space<hbm>> -> memref<1x64xf32, #tpu.memory_space<hbm>>
    %dma_wait3A_238 = arith.constant 4 : i32
    %dma_wait3A_239 = arith.constant 0 : i32
    %dma_wait3A_240 = tpu.memref_slice %arg6[%dma_wait3A_238, %dma_wait3A_239] : memref<16x64xf32, #tpu.memory_space<vmem>> -> memref<1x64xf32, #tpu.memory_space<vmem>>
    %dma_wait3A_241 = arith.constant 0 : i32
    %dma_wait3A_242 = tpu.memref_slice %arg2[%squeeze3A_12, %dma_wait3A_241] : memref<100000x64xf32, #tpu.memory_space<hbm>> -> memref<1x64xf32, #tpu.memory_space<hbm>>
    tpu.wait_dma2 semaphore(%arg7 : memref<!tpu.dma_semaphore, #tpu.memory_space<semaphore_mem>>) src(%dma_wait3A_242 : memref<1x64xf32, #tpu.memory_space<hbm>>) dst(%dma_wait3A_240 : memref<1x64xf32, #tpu.memory_space<vmem>>)
    %dma_wait3A_243 = arith.constant 5 : i32
    %dma_wait3A_244 = arith.constant 0 : i32
    %dma_wait3A_245 = tpu.memref_slice %arg6[%dma_wait3A_243, %dma_wait3A_244] : memref<16x64xf32, #tpu.memory_space<vmem>> -> memref<1x64xf32, #tpu.memory_space<vmem>>
    %dma_wait3A_246 = arith.constant 0 : i32
    %dma_wait3A_247 = tpu.memref_slice %arg2[%squeeze3A_14, %dma_wait3A_246] : memref<100000x64xf32, #tpu.memory_space<hbm>> -> memref<1x64xf32, #tpu.memory_space<hbm>>
    %dma_wait3A_248 = arith.constant 5 : i32
    %dma_wait3A_249 = arith.constant 0 : i32
    %dma_wait3A_250 = tpu.memref_slice %arg6[%dma_wait3A_248, %dma_wait3A_249] : memref<16x64xf32, #tpu.memory_space<vmem>> -> memref<1x64xf32, #tpu.memory_space<vmem>>
    %dma_wait3A_251 = arith.constant 0 : i32
    %dma_wait3A_252 = tpu.memref_slice %arg2[%squeeze3A_14, %dma_wait3A_251] : memref<100000x64xf32, #tpu.memory_space<hbm>> -> memref<1x64xf32, #tpu.memory_space<hbm>>
    tpu.wait_dma2 semaphore(%arg7 : memref<!tpu.dma_semaphore, #tpu.memory_space<semaphore_mem>>) src(%dma_wait3A_252 : memref<1x64xf32, #tpu.memory_space<hbm>>) dst(%dma_wait3A_250 : memref<1x64xf32, #tpu.memory_space<vmem>>)
    %dma_wait3A_253 = arith.constant 6 : i32
    %dma_wait3A_254 = arith.constant 0 : i32
    %dma_wait3A_255 = tpu.memref_slice %arg6[%dma_wait3A_253, %dma_wait3A_254] : memref<16x64xf32, #tpu.memory_space<vmem>> -> memref<1x64xf32, #tpu.memory_space<vmem>>
    %dma_wait3A_256 = arith.constant 0 : i32
    %dma_wait3A_257 = tpu.memref_slice %arg2[%squeeze3A_16, %dma_wait3A_256] : memref<100000x64xf32, #tpu.memory_space<hbm>> -> memref<1x64xf32, #tpu.memory_space<hbm>>
    %dma_wait3A_258 = arith.constant 6 : i32
    %dma_wait3A_259 = arith.constant 0 : i32
    %dma_wait3A_260 = tpu.memref_slice %arg6[%dma_wait3A_258, %dma_wait3A_259] : memref<16x64xf32, #tpu.memory_space<vmem>> -> memref<1x64xf32, #tpu.memory_space<vmem>>
    %dma_wait3A_261 = arith.constant 0 : i32
    %dma_wait3A_262 = tpu.memref_slice %arg2[%squeeze3A_16, %dma_wait3A_261] : memref<100000x64xf32, #tpu.memory_space<hbm>> -> memref<1x64xf32, #tpu.memory_space<hbm>>
    tpu.wait_dma2 semaphore(%arg7 : memref<!tpu.dma_semaphore, #tpu.memory_space<semaphore_mem>>) src(%dma_wait3A_262 : memref<1x64xf32, #tpu.memory_space<hbm>>) dst(%dma_wait3A_260 : memref<1x64xf32, #tpu.memory_space<vmem>>)
    %dma_wait3A_263 = arith.constant 7 : i32
    %dma_wait3A_264 = arith.constant 0 : i32
    %dma_wait3A_265 = tpu.memref_slice %arg6[%dma_wait3A_263, %dma_wait3A_264] : memref<16x64xf32, #tpu.memory_space<vmem>> -> memref<1x64xf32, #tpu.memory_space<vmem>>
    %dma_wait3A_266 = arith.constant 0 : i32
    %dma_wait3A_267 = tpu.memref_slice %arg2[%squeeze3A_18, %dma_wait3A_266] : memref<100000x64xf32, #tpu.memory_space<hbm>> -> memref<1x64xf32, #tpu.memory_space<hbm>>
    %dma_wait3A_268 = arith.constant 7 : i32
    %dma_wait3A_269 = arith.constant 0 : i32
    %dma_wait3A_270 = tpu.memref_slice %arg6[%dma_wait3A_268, %dma_wait3A_269] : memref<16x64xf32, #tpu.memory_space<vmem>> -> memref<1x64xf32, #tpu.memory_space<vmem>>
    %dma_wait3A_271 = arith.constant 0 : i32
    %dma_wait3A_272 = tpu.memref_slice %arg2[%squeeze3A_18, %dma_wait3A_271] : memref<100000x64xf32, #tpu.memory_space<hbm>> -> memref<1x64xf32, #tpu.memory_space<hbm>>
    tpu.wait_dma2 semaphore(%arg7 : memref<!tpu.dma_semaphore, #tpu.memory_space<semaphore_mem>>) src(%dma_wait3A_272 : memref<1x64xf32, #tpu.memory_space<hbm>>) dst(%dma_wait3A_270 : memref<1x64xf32, #tpu.memory_space<vmem>>)
    %dma_wait3A_273 = arith.constant 8 : i32
    %dma_wait3A_274 = arith.constant 0 : i32
    %dma_wait3A_275 = tpu.memref_slice %arg6[%dma_wait3A_273, %dma_wait3A_274] : memref<16x64xf32, #tpu.memory_space<vmem>> -> memref<1x64xf32, #tpu.memory_space<vmem>>
    %dma_wait3A_276 = arith.constant 0 : i32
    %dma_wait3A_277 = tpu.memref_slice %arg2[%squeeze3A_20, %dma_wait3A_276] : memref<100000x64xf32, #tpu.memory_space<hbm>> -> memref<1x64xf32, #tpu.memory_space<hbm>>
    %dma_wait3A_278 = arith.constant 8 : i32
    %dma_wait3A_279 = arith.constant 0 : i32
    %dma_wait3A_280 = tpu.memref_slice %arg6[%dma_wait3A_278, %dma_wait3A_279] : memref<16x64xf32, #tpu.memory_space<vmem>> -> memref<1x64xf32, #tpu.memory_space<vmem>>
    %dma_wait3A_281 = arith.constant 0 : i32
    %dma_wait3A_282 = tpu.memref_slice %arg2[%squeeze3A_20, %dma_wait3A_281] : memref<100000x64xf32, #tpu.memory_space<hbm>> -> memref<1x64xf32, #tpu.memory_space<hbm>>
    tpu.wait_dma2 semaphore(%arg7 : memref<!tpu.dma_semaphore, #tpu.memory_space<semaphore_mem>>) src(%dma_wait3A_282 : memref<1x64xf32, #tpu.memory_space<hbm>>) dst(%dma_wait3A_280 : memref<1x64xf32, #tpu.memory_space<vmem>>)
    %dma_wait3A_283 = arith.constant 9 : i32
    %dma_wait3A_284 = arith.constant 0 : i32
    %dma_wait3A_285 = tpu.memref_slice %arg6[%dma_wait3A_283, %dma_wait3A_284] : memref<16x64xf32, #tpu.memory_space<vmem>> -> memref<1x64xf32, #tpu.memory_space<vmem>>
    %dma_wait3A_286 = arith.constant 0 : i32
    %dma_wait3A_287 = tpu.memref_slice %arg2[%squeeze3A_22, %dma_wait3A_286] : memref<100000x64xf32, #tpu.memory_space<hbm>> -> memref<1x64xf32, #tpu.memory_space<hbm>>
    %dma_wait3A_288 = arith.constant 9 : i32
    %dma_wait3A_289 = arith.constant 0 : i32
    %dma_wait3A_290 = tpu.memref_slice %arg6[%dma_wait3A_288, %dma_wait3A_289] : memref<16x64xf32, #tpu.memory_space<vmem>> -> memref<1x64xf32, #tpu.memory_space<vmem>>
    %dma_wait3A_291 = arith.constant 0 : i32
    %dma_wait3A_292 = tpu.memref_slice %arg2[%squeeze3A_22, %dma_wait3A_291] : memref<100000x64xf32, #tpu.memory_space<hbm>> -> memref<1x64xf32, #tpu.memory_space<hbm>>
    tpu.wait_dma2 semaphore(%arg7 : memref<!tpu.dma_semaphore, #tpu.memory_space<semaphore_mem>>) src(%dma_wait3A_292 : memref<1x64xf32, #tpu.memory_space<hbm>>) dst(%dma_wait3A_290 : memref<1x64xf32, #tpu.memory_space<vmem>>)
    %dma_wait3A_293 = arith.constant 10 : i32
    %dma_wait3A_294 = arith.constant 0 : i32
    %dma_wait3A_295 = tpu.memref_slice %arg6[%dma_wait3A_293, %dma_wait3A_294] : memref<16x64xf32, #tpu.memory_space<vmem>> -> memref<1x64xf32, #tpu.memory_space<vmem>>
    %dma_wait3A_296 = arith.constant 0 : i32
    %dma_wait3A_297 = tpu.memref_slice %arg2[%squeeze3A_24, %dma_wait3A_296] : memref<100000x64xf32, #tpu.memory_space<hbm>> -> memref<1x64xf32, #tpu.memory_space<hbm>>
    %dma_wait3A_298 = arith.constant 10 : i32
    %dma_wait3A_299 = arith.constant 0 : i32
    %dma_wait3A_300 = tpu.memref_slice %arg6[%dma_wait3A_298, %dma_wait3A_299] : memref<16x64xf32, #tpu.memory_space<vmem>> -> memref<1x64xf32, #tpu.memory_space<vmem>>
    %dma_wait3A_301 = arith.constant 0 : i32
    %dma_wait3A_302 = tpu.memref_slice %arg2[%squeeze3A_24, %dma_wait3A_301] : memref<100000x64xf32, #tpu.memory_space<hbm>> -> memref<1x64xf32, #tpu.memory_space<hbm>>
    tpu.wait_dma2 semaphore(%arg7 : memref<!tpu.dma_semaphore, #tpu.memory_space<semaphore_mem>>) src(%dma_wait3A_302 : memref<1x64xf32, #tpu.memory_space<hbm>>) dst(%dma_wait3A_300 : memref<1x64xf32, #tpu.memory_space<vmem>>)
    %dma_wait3A_303 = arith.constant 11 : i32
    %dma_wait3A_304 = arith.constant 0 : i32
    %dma_wait3A_305 = tpu.memref_slice %arg6[%dma_wait3A_303, %dma_wait3A_304] : memref<16x64xf32, #tpu.memory_space<vmem>> -> memref<1x64xf32, #tpu.memory_space<vmem>>
    %dma_wait3A_306 = arith.constant 0 : i32
    %dma_wait3A_307 = tpu.memref_slice %arg2[%squeeze3A_26, %dma_wait3A_306] : memref<100000x64xf32, #tpu.memory_space<hbm>> -> memref<1x64xf32, #tpu.memory_space<hbm>>
    %dma_wait3A_308 = arith.constant 11 : i32
    %dma_wait3A_309 = arith.constant 0 : i32
    %dma_wait3A_310 = tpu.memref_slice %arg6[%dma_wait3A_308, %dma_wait3A_309] : memref<16x64xf32, #tpu.memory_space<vmem>> -> memref<1x64xf32, #tpu.memory_space<vmem>>
    %dma_wait3A_311 = arith.constant 0 : i32
    %dma_wait3A_312 = tpu.memref_slice %arg2[%squeeze3A_26, %dma_wait3A_311] : memref<100000x64xf32, #tpu.memory_space<hbm>> -> memref<1x64xf32, #tpu.memory_space<hbm>>
    tpu.wait_dma2 semaphore(%arg7 : memref<!tpu.dma_semaphore, #tpu.memory_space<semaphore_mem>>) src(%dma_wait3A_312 : memref<1x64xf32, #tpu.memory_space<hbm>>) dst(%dma_wait3A_310 : memref<1x64xf32, #tpu.memory_space<vmem>>)
    %dma_wait3A_313 = arith.constant 12 : i32
    %dma_wait3A_314 = arith.constant 0 : i32
    %dma_wait3A_315 = tpu.memref_slice %arg6[%dma_wait3A_313, %dma_wait3A_314] : memref<16x64xf32, #tpu.memory_space<vmem>> -> memref<1x64xf32, #tpu.memory_space<vmem>>
    %dma_wait3A_316 = arith.constant 0 : i32
    %dma_wait3A_317 = tpu.memref_slice %arg2[%squeeze3A_28, %dma_wait3A_316] : memref<100000x64xf32, #tpu.memory_space<hbm>> -> memref<1x64xf32, #tpu.memory_space<hbm>>
    %dma_wait3A_318 = arith.constant 12 : i32
    %dma_wait3A_319 = arith.constant 0 : i32
    %dma_wait3A_320 = tpu.memref_slice %arg6[%dma_wait3A_318, %dma_wait3A_319] : memref<16x64xf32, #tpu.memory_space<vmem>> -> memref<1x64xf32, #tpu.memory_space<vmem>>
    %dma_wait3A_321 = arith.constant 0 : i32
    %dma_wait3A_322 = tpu.memref_slice %arg2[%squeeze3A_28, %dma_wait3A_321] : memref<100000x64xf32, #tpu.memory_space<hbm>> -> memref<1x64xf32, #tpu.memory_space<hbm>>
    tpu.wait_dma2 semaphore(%arg7 : memref<!tpu.dma_semaphore, #tpu.memory_space<semaphore_mem>>) src(%dma_wait3A_322 : memref<1x64xf32, #tpu.memory_space<hbm>>) dst(%dma_wait3A_320 : memref<1x64xf32, #tpu.memory_space<vmem>>)
    %dma_wait3A_323 = arith.constant 13 : i32
    %dma_wait3A_324 = arith.constant 0 : i32
    %dma_wait3A_325 = tpu.memref_slice %arg6[%dma_wait3A_323, %dma_wait3A_324] : memref<16x64xf32, #tpu.memory_space<vmem>> -> memref<1x64xf32, #tpu.memory_space<vmem>>
    %dma_wait3A_326 = arith.constant 0 : i32
    %dma_wait3A_327 = tpu.memref_slice %arg2[%squeeze3A_30, %dma_wait3A_326] : memref<100000x64xf32, #tpu.memory_space<hbm>> -> memref<1x64xf32, #tpu.memory_space<hbm>>
    %dma_wait3A_328 = arith.constant 13 : i32
    %dma_wait3A_329 = arith.constant 0 : i32
    %dma_wait3A_330 = tpu.memref_slice %arg6[%dma_wait3A_328, %dma_wait3A_329] : memref<16x64xf32, #tpu.memory_space<vmem>> -> memref<1x64xf32, #tpu.memory_space<vmem>>
    %dma_wait3A_331 = arith.constant 0 : i32
    %dma_wait3A_332 = tpu.memref_slice %arg2[%squeeze3A_30, %dma_wait3A_331] : memref<100000x64xf32, #tpu.memory_space<hbm>> -> memref<1x64xf32, #tpu.memory_space<hbm>>
    tpu.wait_dma2 semaphore(%arg7 : memref<!tpu.dma_semaphore, #tpu.memory_space<semaphore_mem>>) src(%dma_wait3A_332 : memref<1x64xf32, #tpu.memory_space<hbm>>) dst(%dma_wait3A_330 : memref<1x64xf32, #tpu.memory_space<vmem>>)
    %dma_wait3A_333 = arith.constant 14 : i32
    %dma_wait3A_334 = arith.constant 0 : i32
    %dma_wait3A_335 = tpu.memref_slice %arg6[%dma_wait3A_333, %dma_wait3A_334] : memref<16x64xf32, #tpu.memory_space<vmem>> -> memref<1x64xf32, #tpu.memory_space<vmem>>
    %dma_wait3A_336 = arith.constant 0 : i32
    %dma_wait3A_337 = tpu.memref_slice %arg2[%squeeze3A_32, %dma_wait3A_336] : memref<100000x64xf32, #tpu.memory_space<hbm>> -> memref<1x64xf32, #tpu.memory_space<hbm>>
    %dma_wait3A_338 = arith.constant 14 : i32
    %dma_wait3A_339 = arith.constant 0 : i32
    %dma_wait3A_340 = tpu.memref_slice %arg6[%dma_wait3A_338, %dma_wait3A_339] : memref<16x64xf32, #tpu.memory_space<vmem>> -> memref<1x64xf32, #tpu.memory_space<vmem>>
    %dma_wait3A_341 = arith.constant 0 : i32
    %dma_wait3A_342 = tpu.memref_slice %arg2[%squeeze3A_32, %dma_wait3A_341] : memref<100000x64xf32, #tpu.memory_space<hbm>> -> memref<1x64xf32, #tpu.memory_space<hbm>>
    tpu.wait_dma2 semaphore(%arg7 : memref<!tpu.dma_semaphore, #tpu.memory_space<semaphore_mem>>) src(%dma_wait3A_342 : memref<1x64xf32, #tpu.memory_space<hbm>>) dst(%dma_wait3A_340 : memref<1x64xf32, #tpu.memory_space<vmem>>)
    %dma_wait3A_343 = arith.constant 15 : i32
    %dma_wait3A_344 = arith.constant 0 : i32
    %dma_wait3A_345 = tpu.memref_slice %arg6[%dma_wait3A_343, %dma_wait3A_344] : memref<16x64xf32, #tpu.memory_space<vmem>> -> memref<1x64xf32, #tpu.memory_space<vmem>>
    %dma_wait3A_346 = arith.constant 0 : i32
    %dma_wait3A_347 = tpu.memref_slice %arg2[%squeeze3A_34, %dma_wait3A_346] : memref<100000x64xf32, #tpu.memory_space<hbm>> -> memref<1x64xf32, #tpu.memory_space<hbm>>
    %dma_wait3A_348 = arith.constant 15 : i32
    %dma_wait3A_349 = arith.constant 0 : i32
    %dma_wait3A_350 = tpu.memref_slice %arg6[%dma_wait3A_348, %dma_wait3A_349] : memref<16x64xf32, #tpu.memory_space<vmem>> -> memref<1x64xf32, #tpu.memory_space<vmem>>
    %dma_wait3A_351 = arith.constant 0 : i32
    %dma_wait3A_352 = tpu.memref_slice %arg2[%squeeze3A_34, %dma_wait3A_351] : memref<100000x64xf32, #tpu.memory_space<hbm>> -> memref<1x64xf32, #tpu.memory_space<hbm>>
    tpu.wait_dma2 semaphore(%arg7 : memref<!tpu.dma_semaphore, #tpu.memory_space<semaphore_mem>>) src(%dma_wait3A_352 : memref<1x64xf32, #tpu.memory_space<hbm>>) dst(%dma_wait3A_350 : memref<1x64xf32, #tpu.memory_space<vmem>>)
    "tpu.region"() ({
      %run_scoped3A = tpu.sem_alloc : memref<!tpu.dma_semaphore, #tpu.memory_space<semaphore_mem>>
      %dma_start3A_353 = arith.constant 0 : i32
      %dma_start3A_354 = tpu.memref_slice %arg4[%mul3A_2, %dma_start3A_353] : memref<512x64xf32, #tpu.memory_space<hbm>> -> memref<16x64xf32, #tpu.memory_space<hbm>>
      %dma_start3A_355 = arith.constant 0 : i32
      %dma_start3A_356 = tpu.memref_slice %arg4[%mul3A_2, %dma_start3A_355] : memref<512x64xf32, #tpu.memory_space<hbm>> -> memref<16x64xf32, #tpu.memory_space<hbm>>
      tpu.enqueue_dma source(%arg6 : memref<16x64xf32, #tpu.memory_space<vmem>>) target(%dma_start3A_356 : memref<16x64xf32, #tpu.memory_space<hbm>>) target_semaphore(%run_scoped3A : memref<!tpu.dma_semaphore, #tpu.memory_space<semaphore_mem>>)
      %dma_wait3A_357 = arith.constant 0 : i32
      %dma_wait3A_358 = tpu.memref_slice %arg4[%mul3A_2, %dma_wait3A_357] : memref<512x64xf32, #tpu.memory_space<hbm>> -> memref<16x64xf32, #tpu.memory_space<hbm>>
      %dma_wait3A_359 = arith.constant 0 : i32
      %dma_wait3A_360 = tpu.memref_slice %arg4[%mul3A_2, %dma_wait3A_359] : memref<512x64xf32, #tpu.memory_space<hbm>> -> memref<16x64xf32, #tpu.memory_space<hbm>>
      tpu.wait_dma2 semaphore(%run_scoped3A : memref<!tpu.dma_semaphore, #tpu.memory_space<semaphore_mem>>) src(%arg6 : memref<16x64xf32, #tpu.memory_space<vmem>>) dst(%dma_wait3A_360 : memref<16x64xf32, #tpu.memory_space<hbm>>)
      tpu.yield
    }) : () -> ()
    return
  }
}

module attributes {stable_mosaic.version = 14 : i64} {
  func.func @_main_body(%arg0: i32, %arg1: memref<128x64xf32, #tpu.memory_space<vmem>>, %arg2: memref<5000x64xf32, #tpu.memory_space<vmem>>, %arg3: memref<512x64xf32, #tpu.memory_space<vmem>>, %arg4: memref<1x1xf32, #tpu.memory_space<smem>>, %arg5: memref<1x1xf32, #tpu.memory_space<smem>>) attributes {dimension_semantics = [#tpu.dimension_semantics<arbitrary>], iteration_bounds = array<i64: 20>, scalar_prefetch = 0 : i64, scratch_operands = 1 : i64, tpu.core_type = #tpu.core_type<tc>, window_params = [{transform_indices = @transform_0, window_bounds = array<i64: 128, 64>}, {transform_indices = @transform_1, window_bounds = array<i64: 5000, 64>}, {pipeline_mode = #tpu.pipeline_mode<synchronous>, transform_indices = @transform_2, window_bounds = array<i64: 512, 64>}, {transform_indices = @transform_3, window_bounds = array<i64: 1, 1>}]} {
    %eq3A = arith.constant 0 : i32
    %eq3A_0 = arith.cmpi eq, %arg0, %eq3A : i32
    %convert_element_type3A = arith.extui %eq3A_0 : i1 to i32
    %cond3A = arith.constant 0 : i32
    %cond3A_1 = arith.cmpi ne, %convert_element_type3A, %cond3A : i32
    scf.if %cond3A_1 {
      %swap3A_333 = arith.constant 0.000000e+00 : f32
      %swap3A_334 = arith.constant 0 : index
      %swap3A_335 = arith.constant 0 : index
      %swap3A_336 = memref.load %arg5[%swap3A_334, %swap3A_335] : memref<1x1xf32, #tpu.memory_space<smem>>
      memref.store %swap3A_333, %arg5[%swap3A_334, %swap3A_335] : memref<1x1xf32, #tpu.memory_space<smem>>
    } else {
    }
    %get3A = arith.constant 0 : index
    %get3A_2 = arith.constant 0 : index
    %get3A_3 = vector.load %arg2[%get3A, %get3A_2] : memref<5000x64xf32, #tpu.memory_space<vmem>>, vector<5000x64xf32>
    %mul3A = arith.constant 5000 : i32
    %mul3A_4 = arith.muli %arg0, %mul3A : i32
    %sub3A = arith.constant 100 : i32
    %sub3A_5 = arith.subi %mul3A_4, %sub3A : i32
    %jit3A = arith.constant 999 : i32
    %div3A = arith.divsi %sub3A_5, %jit3A : i32
    %sign3A = arith.constant 0 : i32
    %sign3A_6 = arith.cmpi sgt, %sub3A_5, %sign3A : i32
    %sign3A_7 = arith.extui %sign3A_6 : i1 to i32
    %sign3A_8 = arith.constant 0 : i32
    %sign3A_9 = arith.cmpi slt, %sub3A_5, %sign3A_8 : i32
    %sign3A_10 = arith.extui %sign3A_9 : i1 to i32
    %sign3A_11 = arith.subi %sign3A_7, %sign3A_10 : i32
    %sign3A_12 = arith.constant 0 : i32
    %sign3A_13 = arith.cmpi sgt, %jit3A, %sign3A_12 : i32
    %sign3A_14 = arith.extui %sign3A_13 : i1 to i32
    %sign3A_15 = arith.constant 0 : i32
    %sign3A_16 = arith.cmpi slt, %jit3A, %sign3A_15 : i32
    %sign3A_17 = arith.extui %sign3A_16 : i1 to i32
    %sign3A_18 = arith.subi %sign3A_14, %sign3A_17 : i32
    %ne3A = arith.cmpi ne, %sign3A_11, %sign3A_18 : i32
    %rem3A = arith.remsi %sub3A_5, %jit3A : i32
    %ne3A_19 = arith.constant 0 : i32
    %ne3A_20 = arith.cmpi ne, %rem3A, %ne3A_19 : i32
    %and3A = arith.andi %ne3A, %ne3A_20 : i1
    %sub3A_21 = arith.constant 1 : i32
    %sub3A_22 = arith.subi %div3A, %sub3A_21 : i32
    %select_n3A = arith.select %and3A, %sub3A_22, %div3A : i32
    %jit3A_23 = arith.constant 0 : i32
    %jit3A_24 = arith.constant 93 : i32
    %max3A = arith.maxsi %jit3A_23, %select_n3A : i32
    %min3A = arith.minsi %jit3A_24, %max3A : i32
    %get3A_25 = arith.index_cast %min3A : i32 to index
    %get3A_26 = arith.constant 0 : index
    %get3A_27 = vector.load %arg1[%get3A_25, %get3A_26] : memref<128x64xf32, #tpu.memory_space<vmem>>, vector<7x64xf32>
    %iota3A = tpu.iota {dimensions = array<i32: 1>} : vector<1x5000xi32>
    %mul3A_28 = arith.constant 5000 : i32
    %mul3A_29 = arith.muli %arg0, %mul3A_28 : i32
    %add3A = vector.broadcast %mul3A_29 : i32 to vector<1x5000xi32>
    %add3A_30 = arith.addi %iota3A, %add3A : vector<1x5000xi32>
    %sub3A_31 = arith.constant 100 : i32
    %sub3A_32 = vector.broadcast %sub3A_31 : i32 to vector<1x5000xi32>
    %sub3A_33 = arith.subi %add3A_30, %sub3A_32 : vector<1x5000xi32>
    %ge3A = arith.constant 0 : i32
    %ge3A_34 = vector.broadcast %ge3A : i32 to vector<1x5000xi32>
    %ge3A_35 = arith.cmpi sge, %sub3A_33, %ge3A_34 : vector<1x5000xi32>
    %max3A_36 = arith.constant 0 : i32
    %max3A_37 = vector.broadcast %max3A_36 : i32 to vector<1x5000xi32>
    %max3A_38 = arith.maxsi %sub3A_33, %max3A_37 : vector<1x5000xi32>
    %jit3A_39 = arith.constant 999 : i32
    %div3A_40 = vector.broadcast %jit3A_39 : i32 to vector<1x5000xi32>
    %div3A_41 = arith.divsi %max3A_38, %div3A_40 : vector<1x5000xi32>
    %sign3A_42 = arith.constant 0 : i32
    %sign3A_43 = vector.broadcast %sign3A_42 : i32 to vector<1x5000xi32>
    %sign3A_44 = arith.cmpi sgt, %max3A_38, %sign3A_43 : vector<1x5000xi32>
    %sign3A_45 = arith.extui %sign3A_44 : vector<1x5000xi1> to vector<1x5000xi32>
    %sign3A_46 = arith.constant 0 : i32
    %sign3A_47 = vector.broadcast %sign3A_46 : i32 to vector<1x5000xi32>
    %sign3A_48 = arith.cmpi slt, %max3A_38, %sign3A_47 : vector<1x5000xi32>
    %sign3A_49 = arith.extui %sign3A_48 : vector<1x5000xi1> to vector<1x5000xi32>
    %sign3A_50 = arith.subi %sign3A_45, %sign3A_49 : vector<1x5000xi32>
    %sign3A_51 = arith.constant 0 : i32
    %sign3A_52 = arith.cmpi sgt, %jit3A_39, %sign3A_51 : i32
    %sign3A_53 = arith.extui %sign3A_52 : i1 to i32
    %sign3A_54 = arith.constant 0 : i32
    %sign3A_55 = arith.cmpi slt, %jit3A_39, %sign3A_54 : i32
    %sign3A_56 = arith.extui %sign3A_55 : i1 to i32
    %sign3A_57 = arith.subi %sign3A_53, %sign3A_56 : i32
    %ne3A_58 = vector.broadcast %sign3A_57 : i32 to vector<1x5000xi32>
    %ne3A_59 = arith.cmpi ne, %sign3A_50, %ne3A_58 : vector<1x5000xi32>
    %rem3A_60 = vector.broadcast %jit3A_39 : i32 to vector<1x5000xi32>
    %rem3A_61 = arith.remsi %max3A_38, %rem3A_60 : vector<1x5000xi32>
    %ne3A_62 = arith.constant 0 : i32
    %ne3A_63 = vector.broadcast %ne3A_62 : i32 to vector<1x5000xi32>
    %ne3A_64 = arith.cmpi ne, %rem3A_61, %ne3A_63 : vector<1x5000xi32>
    %and3A_65 = arith.andi %ne3A_59, %ne3A_64 : vector<1x5000xi1>
    %sub3A_66 = arith.constant 1 : i32
    %sub3A_67 = vector.broadcast %sub3A_66 : i32 to vector<1x5000xi32>
    %sub3A_68 = arith.subi %div3A_41, %sub3A_67 : vector<1x5000xi32>
    %select_n3A_69 = arith.select %and3A_65, %sub3A_68, %div3A_41 : vector<1x5000xi1>, vector<1x5000xi32>
    %sub3A_70 = vector.broadcast %min3A : i32 to vector<1x5000xi32>
    %sub3A_71 = arith.subi %select_n3A_69, %sub3A_70 : vector<1x5000xi32>
    %jit3A_72 = arith.constant 0 : i32
    %jit3A_73 = arith.constant 6 : i32
    %max3A_74 = vector.broadcast %jit3A_72 : i32 to vector<1x5000xi32>
    %max3A_75 = arith.maxsi %max3A_74, %sub3A_71 : vector<1x5000xi32>
    %min3A_76 = vector.broadcast %jit3A_73 : i32 to vector<1x5000xi32>
    %min3A_77 = arith.minsi %min3A_76, %max3A_75 : vector<1x5000xi32>
    %dot_general3A = arith.constant dense<0.000000e+00> : vector<7x5000xf32>
    %dot_general3A_78 = tpu.matmul %get3A_27, %get3A_3, %dot_general3A {dimension_numbers = #tpu.dot_dimension_numbers<[1], [1], [0], [0], [0, 0, 1, 0], [], []>, transpose_lhs_hint = false} : vector<7x64xf32>, vector<5000x64xf32>, vector<7x5000xf32> -> vector<7x5000xf32>
    %broadcast_in_dim3A = arith.constant 1.000000e+00 : f32
    %broadcast_in_dim3A_79 = vector.broadcast %broadcast_in_dim3A : f32 to vector<1x64xf32>
    %mul3A_80 = arith.mulf %get3A_3, %get3A_3 : vector<5000x64xf32>
    %dot_general3A_81 = arith.constant dense<0.000000e+00> : vector<1x5000xf32>
    %dot_general3A_82 = tpu.matmul %broadcast_in_dim3A_79, %mul3A_80, %dot_general3A_81 {dimension_numbers = #tpu.dot_dimension_numbers<[1], [1], [0], [0], [0, 0, 1, 0], [], []>, transpose_lhs_hint = false} : vector<1x64xf32>, vector<5000x64xf32>, vector<1x5000xf32> -> vector<1x5000xf32>
    %mul3A_83 = arith.mulf %get3A_27, %get3A_27 : vector<7x64xf32>
    %reduce_sum3A = arith.constant dense<0.000000e+00> : vector<7xf32>
    %reduce_sum3A_84 = vector.multi_reduction <add>, %mul3A_83, %reduce_sum3A [1] : vector<7x64xf32> to vector<7xf32>
    %broadcast_in_dim3A_85 = vector.shape_cast %reduce_sum3A_84 : vector<7xf32> to vector<7x1xf32>
    %sqrt3A = math.sqrt %broadcast_in_dim3A_85 : vector<7x1xf32>
    %add3A_86 = arith.constant 9.99999997E-7 : f32
    %add3A_87 = vector.broadcast %add3A_86 : f32 to vector<7x1xf32>
    %add3A_88 = arith.addf %sqrt3A, %add3A_87 : vector<7x1xf32>
    %div3A_89 = arith.constant 1.000000e-01 : f32
    %div3A_90 = vector.broadcast %div3A_89 : f32 to vector<7x1xf32>
    %div3A_91 = arith.divf %div3A_90, %add3A_88 : vector<7x1xf32>
    %jit3A_92 = arith.constant 0.000000e+00 : f32
    %jit3A_93 = arith.constant 0.999998986 : f32
    %max3A_94 = vector.broadcast %jit3A_92 : f32 to vector<7x1xf32>
    %max3A_95 = arith.maximumf %max3A_94, %div3A_91 : vector<7x1xf32>
    %min3A_96 = vector.broadcast %jit3A_93 : f32 to vector<7x1xf32>
    %min3A_97 = arith.minimumf %min3A_96, %max3A_95 : vector<7x1xf32>
    %abs3A = math.absf %min3A_97 : vector<7x1xf32>
    %sub3A_98 = arith.constant 1.000000e+00 : f32
    %sub3A_99 = vector.broadcast %sub3A_98 : f32 to vector<7x1xf32>
    %sub3A_100 = arith.subf %sub3A_99, %abs3A : vector<7x1xf32>
    %max3A_101 = arith.constant 0.000000e+00 : f32
    %max3A_102 = vector.broadcast %max3A_101 : f32 to vector<7x1xf32>
    %max3A_103 = arith.maximumf %sub3A_100, %max3A_102 : vector<7x1xf32>
    %sqrt3A_104 = math.sqrt %max3A_103 : vector<7x1xf32>
    %mul3A_105 = arith.constant -1.872930e-02 : f32
    %mul3A_106 = vector.broadcast %mul3A_105 : f32 to vector<7x1xf32>
    %mul3A_107 = arith.mulf %mul3A_106, %abs3A : vector<7x1xf32>
    %add3A_108 = arith.constant 7.426100e-02 : f32
    %add3A_109 = vector.broadcast %add3A_108 : f32 to vector<7x1xf32>
    %add3A_110 = arith.addf %mul3A_107, %add3A_109 : vector<7x1xf32>
    %mul3A_111 = arith.mulf %add3A_110, %abs3A : vector<7x1xf32>
    %sub3A_112 = arith.constant 0.212114394 : f32
    %sub3A_113 = vector.broadcast %sub3A_112 : f32 to vector<7x1xf32>
    %sub3A_114 = arith.subf %mul3A_111, %sub3A_113 : vector<7x1xf32>
    %mul3A_115 = arith.mulf %sub3A_114, %abs3A : vector<7x1xf32>
    %add3A_116 = arith.constant 1.57072878 : f32
    %add3A_117 = vector.broadcast %add3A_116 : f32 to vector<7x1xf32>
    %add3A_118 = arith.addf %mul3A_115, %add3A_117 : vector<7x1xf32>
    %mul3A_119 = arith.mulf %sqrt3A_104, %add3A_118 : vector<7x1xf32>
    %lt3A = arith.constant 0.000000e+00 : f32
    %lt3A_120 = vector.broadcast %lt3A : f32 to vector<7x1xf32>
    %lt3A_121 = arith.cmpf olt, %min3A_97, %lt3A_120 : vector<7x1xf32>
    %sub3A_122 = arith.constant 3.14159274 : f32
    %sub3A_123 = vector.broadcast %sub3A_122 : f32 to vector<7x1xf32>
    %sub3A_124 = arith.subf %sub3A_123, %mul3A_119 : vector<7x1xf32>
    %select_n3A_125 = arith.select %lt3A_121, %sub3A_124, %mul3A_119 : vector<7x1xi1>, vector<7x1xf32>
    %sub3A_126 = arith.constant 1.57079637 : f32
    %sub3A_127 = vector.broadcast %sub3A_126 : f32 to vector<7x1xf32>
    %sub3A_128 = arith.subf %sub3A_127, %select_n3A_125 : vector<7x1xf32>
    %slice3A = vector.extract_strided_slice %dot_general3A_78 {offsets = [0, 0], sizes = [1, 5000], strides = [1, 1]} : vector<7x5000xf32> to vector<1x5000xf32>
    %eq3A_129 = arith.constant 1 : i32
    %eq3A_130 = vector.broadcast %eq3A_129 : i32 to vector<1x5000xi32>
    %eq3A_131 = arith.cmpi eq, %min3A_77, %eq3A_130 : vector<1x5000xi32>
    %slice3A_132 = vector.extract_strided_slice %dot_general3A_78 {offsets = [1, 0], sizes = [1, 5000], strides = [1, 1]} : vector<7x5000xf32> to vector<1x5000xf32>
    %select_n3A_133 = arith.select %eq3A_131, %slice3A_132, %slice3A : vector<1x5000xi1>, vector<1x5000xf32>
    %eq3A_134 = arith.constant 2 : i32
    %eq3A_135 = vector.broadcast %eq3A_134 : i32 to vector<1x5000xi32>
    %eq3A_136 = arith.cmpi eq, %min3A_77, %eq3A_135 : vector<1x5000xi32>
    %slice3A_137 = vector.extract_strided_slice %dot_general3A_78 {offsets = [2, 0], sizes = [1, 5000], strides = [1, 1]} : vector<7x5000xf32> to vector<1x5000xf32>
    %select_n3A_138 = arith.select %eq3A_136, %slice3A_137, %select_n3A_133 : vector<1x5000xi1>, vector<1x5000xf32>
    %eq3A_139 = arith.constant 3 : i32
    %eq3A_140 = vector.broadcast %eq3A_139 : i32 to vector<1x5000xi32>
    %eq3A_141 = arith.cmpi eq, %min3A_77, %eq3A_140 : vector<1x5000xi32>
    %slice3A_142 = vector.extract_strided_slice %dot_general3A_78 {offsets = [3, 0], sizes = [1, 5000], strides = [1, 1]} : vector<7x5000xf32> to vector<1x5000xf32>
    %select_n3A_143 = arith.select %eq3A_141, %slice3A_142, %select_n3A_138 : vector<1x5000xi1>, vector<1x5000xf32>
    %eq3A_144 = arith.constant 4 : i32
    %eq3A_145 = vector.broadcast %eq3A_144 : i32 to vector<1x5000xi32>
    %eq3A_146 = arith.cmpi eq, %min3A_77, %eq3A_145 : vector<1x5000xi32>
    %slice3A_147 = vector.extract_strided_slice %dot_general3A_78 {offsets = [4, 0], sizes = [1, 5000], strides = [1, 1]} : vector<7x5000xf32> to vector<1x5000xf32>
    %select_n3A_148 = arith.select %eq3A_146, %slice3A_147, %select_n3A_143 : vector<1x5000xi1>, vector<1x5000xf32>
    %eq3A_149 = arith.constant 5 : i32
    %eq3A_150 = vector.broadcast %eq3A_149 : i32 to vector<1x5000xi32>
    %eq3A_151 = arith.cmpi eq, %min3A_77, %eq3A_150 : vector<1x5000xi32>
    %slice3A_152 = vector.extract_strided_slice %dot_general3A_78 {offsets = [5, 0], sizes = [1, 5000], strides = [1, 1]} : vector<7x5000xf32> to vector<1x5000xf32>
    %select_n3A_153 = arith.select %eq3A_151, %slice3A_152, %select_n3A_148 : vector<1x5000xi1>, vector<1x5000xf32>
    %eq3A_154 = arith.constant 6 : i32
    %eq3A_155 = vector.broadcast %eq3A_154 : i32 to vector<1x5000xi32>
    %eq3A_156 = arith.cmpi eq, %min3A_77, %eq3A_155 : vector<1x5000xi32>
    %slice3A_157 = vector.extract_strided_slice %dot_general3A_78 {offsets = [6, 0], sizes = [1, 5000], strides = [1, 1]} : vector<7x5000xf32> to vector<1x5000xf32>
    %select_n3A_158 = arith.select %eq3A_156, %slice3A_157, %select_n3A_153 : vector<1x5000xi1>, vector<1x5000xf32>
    %broadcast_in_dim3A_159 = vector.shape_cast %broadcast_in_dim3A_85 : vector<7x1xf32> to vector<7x1xf32>
    %broadcast_in_dim3A_160 = vector.broadcast %broadcast_in_dim3A_159 : vector<7x1xf32> to vector<7x5000xf32>
    %slice3A_161 = vector.extract_strided_slice %broadcast_in_dim3A_160 {offsets = [0, 0], sizes = [1, 5000], strides = [1, 1]} : vector<7x5000xf32> to vector<1x5000xf32>
    %eq3A_162 = arith.constant 1 : i32
    %eq3A_163 = vector.broadcast %eq3A_162 : i32 to vector<1x5000xi32>
    %eq3A_164 = arith.cmpi eq, %min3A_77, %eq3A_163 : vector<1x5000xi32>
    %slice3A_165 = vector.extract_strided_slice %broadcast_in_dim3A_160 {offsets = [1, 0], sizes = [1, 5000], strides = [1, 1]} : vector<7x5000xf32> to vector<1x5000xf32>
    %select_n3A_166 = arith.select %eq3A_164, %slice3A_165, %slice3A_161 : vector<1x5000xi1>, vector<1x5000xf32>
    %eq3A_167 = arith.constant 2 : i32
    %eq3A_168 = vector.broadcast %eq3A_167 : i32 to vector<1x5000xi32>
    %eq3A_169 = arith.cmpi eq, %min3A_77, %eq3A_168 : vector<1x5000xi32>
    %slice3A_170 = vector.extract_strided_slice %broadcast_in_dim3A_160 {offsets = [2, 0], sizes = [1, 5000], strides = [1, 1]} : vector<7x5000xf32> to vector<1x5000xf32>
    %select_n3A_171 = arith.select %eq3A_169, %slice3A_170, %select_n3A_166 : vector<1x5000xi1>, vector<1x5000xf32>
    %eq3A_172 = arith.constant 3 : i32
    %eq3A_173 = vector.broadcast %eq3A_172 : i32 to vector<1x5000xi32>
    %eq3A_174 = arith.cmpi eq, %min3A_77, %eq3A_173 : vector<1x5000xi32>
    %slice3A_175 = vector.extract_strided_slice %broadcast_in_dim3A_160 {offsets = [3, 0], sizes = [1, 5000], strides = [1, 1]} : vector<7x5000xf32> to vector<1x5000xf32>
    %select_n3A_176 = arith.select %eq3A_174, %slice3A_175, %select_n3A_171 : vector<1x5000xi1>, vector<1x5000xf32>
    %eq3A_177 = arith.constant 4 : i32
    %eq3A_178 = vector.broadcast %eq3A_177 : i32 to vector<1x5000xi32>
    %eq3A_179 = arith.cmpi eq, %min3A_77, %eq3A_178 : vector<1x5000xi32>
    %slice3A_180 = vector.extract_strided_slice %broadcast_in_dim3A_160 {offsets = [4, 0], sizes = [1, 5000], strides = [1, 1]} : vector<7x5000xf32> to vector<1x5000xf32>
    %select_n3A_181 = arith.select %eq3A_179, %slice3A_180, %select_n3A_176 : vector<1x5000xi1>, vector<1x5000xf32>
    %eq3A_182 = arith.constant 5 : i32
    %eq3A_183 = vector.broadcast %eq3A_182 : i32 to vector<1x5000xi32>
    %eq3A_184 = arith.cmpi eq, %min3A_77, %eq3A_183 : vector<1x5000xi32>
    %slice3A_185 = vector.extract_strided_slice %broadcast_in_dim3A_160 {offsets = [5, 0], sizes = [1, 5000], strides = [1, 1]} : vector<7x5000xf32> to vector<1x5000xf32>
    %select_n3A_186 = arith.select %eq3A_184, %slice3A_185, %select_n3A_181 : vector<1x5000xi1>, vector<1x5000xf32>
    %eq3A_187 = arith.constant 6 : i32
    %eq3A_188 = vector.broadcast %eq3A_187 : i32 to vector<1x5000xi32>
    %eq3A_189 = arith.cmpi eq, %min3A_77, %eq3A_188 : vector<1x5000xi32>
    %slice3A_190 = vector.extract_strided_slice %broadcast_in_dim3A_160 {offsets = [6, 0], sizes = [1, 5000], strides = [1, 1]} : vector<7x5000xf32> to vector<1x5000xf32>
    %select_n3A_191 = arith.select %eq3A_189, %slice3A_190, %select_n3A_186 : vector<1x5000xi1>, vector<1x5000xf32>
    %broadcast_in_dim3A_192 = vector.shape_cast %sqrt3A : vector<7x1xf32> to vector<7x1xf32>
    %broadcast_in_dim3A_193 = vector.broadcast %broadcast_in_dim3A_192 : vector<7x1xf32> to vector<7x5000xf32>
    %slice3A_194 = vector.extract_strided_slice %broadcast_in_dim3A_193 {offsets = [0, 0], sizes = [1, 5000], strides = [1, 1]} : vector<7x5000xf32> to vector<1x5000xf32>
    %eq3A_195 = arith.constant 1 : i32
    %eq3A_196 = vector.broadcast %eq3A_195 : i32 to vector<1x5000xi32>
    %eq3A_197 = arith.cmpi eq, %min3A_77, %eq3A_196 : vector<1x5000xi32>
    %slice3A_198 = vector.extract_strided_slice %broadcast_in_dim3A_193 {offsets = [1, 0], sizes = [1, 5000], strides = [1, 1]} : vector<7x5000xf32> to vector<1x5000xf32>
    %select_n3A_199 = arith.select %eq3A_197, %slice3A_198, %slice3A_194 : vector<1x5000xi1>, vector<1x5000xf32>
    %eq3A_200 = arith.constant 2 : i32
    %eq3A_201 = vector.broadcast %eq3A_200 : i32 to vector<1x5000xi32>
    %eq3A_202 = arith.cmpi eq, %min3A_77, %eq3A_201 : vector<1x5000xi32>
    %slice3A_203 = vector.extract_strided_slice %broadcast_in_dim3A_193 {offsets = [2, 0], sizes = [1, 5000], strides = [1, 1]} : vector<7x5000xf32> to vector<1x5000xf32>
    %select_n3A_204 = arith.select %eq3A_202, %slice3A_203, %select_n3A_199 : vector<1x5000xi1>, vector<1x5000xf32>
    %eq3A_205 = arith.constant 3 : i32
    %eq3A_206 = vector.broadcast %eq3A_205 : i32 to vector<1x5000xi32>
    %eq3A_207 = arith.cmpi eq, %min3A_77, %eq3A_206 : vector<1x5000xi32>
    %slice3A_208 = vector.extract_strided_slice %broadcast_in_dim3A_193 {offsets = [3, 0], sizes = [1, 5000], strides = [1, 1]} : vector<7x5000xf32> to vector<1x5000xf32>
    %select_n3A_209 = arith.select %eq3A_207, %slice3A_208, %select_n3A_204 : vector<1x5000xi1>, vector<1x5000xf32>
    %eq3A_210 = arith.constant 4 : i32
    %eq3A_211 = vector.broadcast %eq3A_210 : i32 to vector<1x5000xi32>
    %eq3A_212 = arith.cmpi eq, %min3A_77, %eq3A_211 : vector<1x5000xi32>
    %slice3A_213 = vector.extract_strided_slice %broadcast_in_dim3A_193 {offsets = [4, 0], sizes = [1, 5000], strides = [1, 1]} : vector<7x5000xf32> to vector<1x5000xf32>
    %select_n3A_214 = arith.select %eq3A_212, %slice3A_213, %select_n3A_209 : vector<1x5000xi1>, vector<1x5000xf32>
    %eq3A_215 = arith.constant 5 : i32
    %eq3A_216 = vector.broadcast %eq3A_215 : i32 to vector<1x5000xi32>
    %eq3A_217 = arith.cmpi eq, %min3A_77, %eq3A_216 : vector<1x5000xi32>
    %slice3A_218 = vector.extract_strided_slice %broadcast_in_dim3A_193 {offsets = [5, 0], sizes = [1, 5000], strides = [1, 1]} : vector<7x5000xf32> to vector<1x5000xf32>
    %select_n3A_219 = arith.select %eq3A_217, %slice3A_218, %select_n3A_214 : vector<1x5000xi1>, vector<1x5000xf32>
    %eq3A_220 = arith.constant 6 : i32
    %eq3A_221 = vector.broadcast %eq3A_220 : i32 to vector<1x5000xi32>
    %eq3A_222 = arith.cmpi eq, %min3A_77, %eq3A_221 : vector<1x5000xi32>
    %slice3A_223 = vector.extract_strided_slice %broadcast_in_dim3A_193 {offsets = [6, 0], sizes = [1, 5000], strides = [1, 1]} : vector<7x5000xf32> to vector<1x5000xf32>
    %select_n3A_224 = arith.select %eq3A_222, %slice3A_223, %select_n3A_219 : vector<1x5000xi1>, vector<1x5000xf32>
    %broadcast_in_dim3A_225 = vector.shape_cast %sub3A_128 : vector<7x1xf32> to vector<7x1xf32>
    %broadcast_in_dim3A_226 = vector.broadcast %broadcast_in_dim3A_225 : vector<7x1xf32> to vector<7x5000xf32>
    %slice3A_227 = vector.extract_strided_slice %broadcast_in_dim3A_226 {offsets = [0, 0], sizes = [1, 5000], strides = [1, 1]} : vector<7x5000xf32> to vector<1x5000xf32>
    %eq3A_228 = arith.constant 1 : i32
    %eq3A_229 = vector.broadcast %eq3A_228 : i32 to vector<1x5000xi32>
    %eq3A_230 = arith.cmpi eq, %min3A_77, %eq3A_229 : vector<1x5000xi32>
    %slice3A_231 = vector.extract_strided_slice %broadcast_in_dim3A_226 {offsets = [1, 0], sizes = [1, 5000], strides = [1, 1]} : vector<7x5000xf32> to vector<1x5000xf32>
    %select_n3A_232 = arith.select %eq3A_230, %slice3A_231, %slice3A_227 : vector<1x5000xi1>, vector<1x5000xf32>
    %eq3A_233 = arith.constant 2 : i32
    %eq3A_234 = vector.broadcast %eq3A_233 : i32 to vector<1x5000xi32>
    %eq3A_235 = arith.cmpi eq, %min3A_77, %eq3A_234 : vector<1x5000xi32>
    %slice3A_236 = vector.extract_strided_slice %broadcast_in_dim3A_226 {offsets = [2, 0], sizes = [1, 5000], strides = [1, 1]} : vector<7x5000xf32> to vector<1x5000xf32>
    %select_n3A_237 = arith.select %eq3A_235, %slice3A_236, %select_n3A_232 : vector<1x5000xi1>, vector<1x5000xf32>
    %eq3A_238 = arith.constant 3 : i32
    %eq3A_239 = vector.broadcast %eq3A_238 : i32 to vector<1x5000xi32>
    %eq3A_240 = arith.cmpi eq, %min3A_77, %eq3A_239 : vector<1x5000xi32>
    %slice3A_241 = vector.extract_strided_slice %broadcast_in_dim3A_226 {offsets = [3, 0], sizes = [1, 5000], strides = [1, 1]} : vector<7x5000xf32> to vector<1x5000xf32>
    %select_n3A_242 = arith.select %eq3A_240, %slice3A_241, %select_n3A_237 : vector<1x5000xi1>, vector<1x5000xf32>
    %eq3A_243 = arith.constant 4 : i32
    %eq3A_244 = vector.broadcast %eq3A_243 : i32 to vector<1x5000xi32>
    %eq3A_245 = arith.cmpi eq, %min3A_77, %eq3A_244 : vector<1x5000xi32>
    %slice3A_246 = vector.extract_strided_slice %broadcast_in_dim3A_226 {offsets = [4, 0], sizes = [1, 5000], strides = [1, 1]} : vector<7x5000xf32> to vector<1x5000xf32>
    %select_n3A_247 = arith.select %eq3A_245, %slice3A_246, %select_n3A_242 : vector<1x5000xi1>, vector<1x5000xf32>
    %eq3A_248 = arith.constant 5 : i32
    %eq3A_249 = vector.broadcast %eq3A_248 : i32 to vector<1x5000xi32>
    %eq3A_250 = arith.cmpi eq, %min3A_77, %eq3A_249 : vector<1x5000xi32>
    %slice3A_251 = vector.extract_strided_slice %broadcast_in_dim3A_226 {offsets = [5, 0], sizes = [1, 5000], strides = [1, 1]} : vector<7x5000xf32> to vector<1x5000xf32>
    %select_n3A_252 = arith.select %eq3A_250, %slice3A_251, %select_n3A_247 : vector<1x5000xi1>, vector<1x5000xf32>
    %eq3A_253 = arith.constant 6 : i32
    %eq3A_254 = vector.broadcast %eq3A_253 : i32 to vector<1x5000xi32>
    %eq3A_255 = arith.cmpi eq, %min3A_77, %eq3A_254 : vector<1x5000xi32>
    %slice3A_256 = vector.extract_strided_slice %broadcast_in_dim3A_226 {offsets = [6, 0], sizes = [1, 5000], strides = [1, 1]} : vector<7x5000xf32> to vector<1x5000xf32>
    %select_n3A_257 = arith.select %eq3A_255, %slice3A_256, %select_n3A_252 : vector<1x5000xi1>, vector<1x5000xf32>
    %mul3A_258 = arith.constant 2.000000e+00 : f32
    %mul3A_259 = vector.broadcast %mul3A_258 : f32 to vector<1x5000xf32>
    %mul3A_260 = arith.mulf %mul3A_259, %select_n3A_158 : vector<1x5000xf32>
    %sub3A_261 = arith.subf %dot_general3A_82, %mul3A_260 : vector<1x5000xf32>
    %add3A_262 = arith.addf %sub3A_261, %select_n3A_191 : vector<1x5000xf32>
    %sqrt3A_263 = math.sqrt %add3A_262 : vector<1x5000xf32>
    %sub3A_264 = arith.subf %dot_general3A_82, %select_n3A_191 : vector<1x5000xf32>
    %sub3A_265 = arith.subf %sub3A_264, %add3A_262 : vector<1x5000xf32>
    %mul3A_266 = arith.constant 2.000000e+00 : f32
    %mul3A_267 = vector.broadcast %mul3A_266 : f32 to vector<1x5000xf32>
    %mul3A_268 = arith.mulf %mul3A_267, %select_n3A_224 : vector<1x5000xf32>
    %mul3A_269 = arith.mulf %mul3A_268, %sqrt3A_263 : vector<1x5000xf32>
    %add3A_270 = arith.constant 9.99999997E-7 : f32
    %add3A_271 = vector.broadcast %add3A_270 : f32 to vector<1x5000xf32>
    %add3A_272 = arith.addf %mul3A_269, %add3A_271 : vector<1x5000xf32>
    %div3A_273 = arith.divf %sub3A_265, %add3A_272 : vector<1x5000xf32>
    %jit3A_274 = arith.constant -0.999998986 : f32
    %jit3A_275 = arith.constant 0.999998986 : f32
    %max3A_276 = vector.broadcast %jit3A_274 : f32 to vector<1x5000xf32>
    %max3A_277 = arith.maximumf %max3A_276, %div3A_273 : vector<1x5000xf32>
    %min3A_278 = vector.broadcast %jit3A_275 : f32 to vector<1x5000xf32>
    %min3A_279 = arith.minimumf %min3A_278, %max3A_277 : vector<1x5000xf32>
    %abs3A_280 = math.absf %min3A_279 : vector<1x5000xf32>
    %sub3A_281 = arith.constant 1.000000e+00 : f32
    %sub3A_282 = vector.broadcast %sub3A_281 : f32 to vector<1x5000xf32>
    %sub3A_283 = arith.subf %sub3A_282, %abs3A_280 : vector<1x5000xf32>
    %max3A_284 = arith.constant 0.000000e+00 : f32
    %max3A_285 = vector.broadcast %max3A_284 : f32 to vector<1x5000xf32>
    %max3A_286 = arith.maximumf %sub3A_283, %max3A_285 : vector<1x5000xf32>
    %sqrt3A_287 = math.sqrt %max3A_286 : vector<1x5000xf32>
    %mul3A_288 = arith.constant -1.872930e-02 : f32
    %mul3A_289 = vector.broadcast %mul3A_288 : f32 to vector<1x5000xf32>
    %mul3A_290 = arith.mulf %mul3A_289, %abs3A_280 : vector<1x5000xf32>
    %add3A_291 = arith.constant 7.426100e-02 : f32
    %add3A_292 = vector.broadcast %add3A_291 : f32 to vector<1x5000xf32>
    %add3A_293 = arith.addf %mul3A_290, %add3A_292 : vector<1x5000xf32>
    %mul3A_294 = arith.mulf %add3A_293, %abs3A_280 : vector<1x5000xf32>
    %sub3A_295 = arith.constant 0.212114394 : f32
    %sub3A_296 = vector.broadcast %sub3A_295 : f32 to vector<1x5000xf32>
    %sub3A_297 = arith.subf %mul3A_294, %sub3A_296 : vector<1x5000xf32>
    %mul3A_298 = arith.mulf %sub3A_297, %abs3A_280 : vector<1x5000xf32>
    %add3A_299 = arith.constant 1.57072878 : f32
    %add3A_300 = vector.broadcast %add3A_299 : f32 to vector<1x5000xf32>
    %add3A_301 = arith.addf %mul3A_298, %add3A_300 : vector<1x5000xf32>
    %mul3A_302 = arith.mulf %sqrt3A_287, %add3A_301 : vector<1x5000xf32>
    %lt3A_303 = arith.constant 0.000000e+00 : f32
    %lt3A_304 = vector.broadcast %lt3A_303 : f32 to vector<1x5000xf32>
    %lt3A_305 = arith.cmpf olt, %min3A_279, %lt3A_304 : vector<1x5000xf32>
    %sub3A_306 = arith.constant 3.14159274 : f32
    %sub3A_307 = vector.broadcast %sub3A_306 : f32 to vector<1x5000xf32>
    %sub3A_308 = arith.subf %sub3A_307, %mul3A_302 : vector<1x5000xf32>
    %select_n3A_309 = arith.select %lt3A_305, %sub3A_308, %mul3A_302 : vector<1x5000xi1>, vector<1x5000xf32>
    %sub3A_310 = arith.subf %select_n3A_309, %select_n3A_257 : vector<1x5000xf32>
    %max3A_311 = arith.constant 0.000000e+00 : f32
    %max3A_312 = vector.broadcast %max3A_311 : f32 to vector<1x5000xf32>
    %max3A_313 = arith.maximumf %sub3A_310, %max3A_312 : vector<1x5000xf32>
    %get3A_314 = arith.constant 0 : index
    %get3A_315 = arith.constant 0 : index
    %get3A_316 = memref.load %arg5[%get3A_314, %get3A_315] : memref<1x1xf32, #tpu.memory_space<smem>>
    %jit3A_317 = arith.constant 0.000000e+00 : f32
    %broadcast_in_dim3A_318 = vector.broadcast %jit3A_317 : f32 to vector<1x5000xf32>
    %select_n3A_319 = arith.select %ge3A_35, %max3A_313, %broadcast_in_dim3A_318 : vector<1x5000xi1>, vector<1x5000xf32>
    %reduce_sum3A_320 = vector.shape_cast %select_n3A_319 : vector<1x5000xf32> to vector<1x1x5000xf32>
    %reduce_sum3A_321 = arith.constant dense<0.000000e+00> : vector<1xf32>
    %reduce_sum3A_322 = vector.multi_reduction <add>, %reduce_sum3A_320, %reduce_sum3A_321 [1, 2] : vector<1x1x5000xf32> to vector<1xf32>
    %reduce_sum3A_323 = vector.shape_cast %reduce_sum3A_322 : vector<1xf32> to vector<1x1x1xf32>
    %reduce_sum3A_324 = vector.extract %reduce_sum3A_323[0, 0, 0] : f32 from vector<1x1x1xf32>
    %add3A_325 = arith.addf %get3A_316, %reduce_sum3A_324 : f32
    %swap3A = arith.constant 0 : index
    %swap3A_326 = arith.constant 0 : index
    %swap3A_327 = memref.load %arg5[%swap3A, %swap3A_326] : memref<1x1xf32, #tpu.memory_space<smem>>
    memref.store %add3A_325, %arg5[%swap3A, %swap3A_326] : memref<1x1xf32, #tpu.memory_space<smem>>
    %eq3A_328 = arith.constant 19 : i32
    %eq3A_329 = arith.cmpi eq, %arg0, %eq3A_328 : i32
    %convert_element_type3A_330 = arith.extui %eq3A_329 : i1 to i32
    %cond3A_331 = arith.constant 0 : i32
    %cond3A_332 = arith.cmpi ne, %convert_element_type3A_330, %cond3A_331 : i32
    scf.if %cond3A_332 {
      %broadcast_in_dim3A_333 = arith.constant 1.000000e+00 : f32
      %broadcast_in_dim3A_334 = vector.broadcast %broadcast_in_dim3A_333 : f32 to vector<1x64xf32>
      %get3A_335 = arith.constant 0 : index
      %get3A_336 = arith.constant 0 : index
      %get3A_337 = vector.load %arg3[%get3A_335, %get3A_336] : memref<512x64xf32, #tpu.memory_space<vmem>>, vector<512x64xf32>
      %get3A_338 = arith.constant 0 : index
      %get3A_339 = arith.constant 0 : index
      %get3A_340 = vector.load %arg1[%get3A_338, %get3A_339] : memref<128x64xf32, #tpu.memory_space<vmem>>, vector<128x64xf32>
      %mul3A_341 = arith.mulf %get3A_340, %get3A_340 : vector<128x64xf32>
      %dot_general3A_342 = arith.constant dense<0.000000e+00> : vector<1x128xf32>
      %dot_general3A_343 = tpu.matmul %broadcast_in_dim3A_334, %mul3A_341, %dot_general3A_342 {dimension_numbers = #tpu.dot_dimension_numbers<[1], [1], [0], [0], [0, 0, 1, 0], [], []>, transpose_lhs_hint = false} : vector<1x64xf32>, vector<128x64xf32>, vector<1x128xf32> -> vector<1x128xf32>
      %sqrt3A_344 = math.sqrt %dot_general3A_343 : vector<1x128xf32>
      %add3A_345 = arith.constant 9.99999997E-7 : f32
      %add3A_346 = vector.broadcast %add3A_345 : f32 to vector<1x128xf32>
      %add3A_347 = arith.addf %sqrt3A_344, %add3A_346 : vector<1x128xf32>
      %div3A_348 = arith.constant 1.000000e-01 : f32
      %div3A_349 = vector.broadcast %div3A_348 : f32 to vector<1x128xf32>
      %div3A_350 = arith.divf %div3A_349, %add3A_347 : vector<1x128xf32>
      %jit3A_351 = arith.constant 0.000000e+00 : f32
      %jit3A_352 = arith.constant 0.999998986 : f32
      %max3A_353 = vector.broadcast %jit3A_351 : f32 to vector<1x128xf32>
      %max3A_354 = arith.maximumf %max3A_353, %div3A_350 : vector<1x128xf32>
      %min3A_355 = vector.broadcast %jit3A_352 : f32 to vector<1x128xf32>
      %min3A_356 = arith.minimumf %min3A_355, %max3A_354 : vector<1x128xf32>
      %abs3A_357 = math.absf %min3A_356 : vector<1x128xf32>
      %sub3A_358 = arith.constant 1.000000e+00 : f32
      %sub3A_359 = vector.broadcast %sub3A_358 : f32 to vector<1x128xf32>
      %sub3A_360 = arith.subf %sub3A_359, %abs3A_357 : vector<1x128xf32>
      %max3A_361 = arith.constant 0.000000e+00 : f32
      %max3A_362 = vector.broadcast %max3A_361 : f32 to vector<1x128xf32>
      %max3A_363 = arith.maximumf %sub3A_360, %max3A_362 : vector<1x128xf32>
      %sqrt3A_364 = math.sqrt %max3A_363 : vector<1x128xf32>
      %mul3A_365 = arith.constant -1.872930e-02 : f32
      %mul3A_366 = vector.broadcast %mul3A_365 : f32 to vector<1x128xf32>
      %mul3A_367 = arith.mulf %mul3A_366, %abs3A_357 : vector<1x128xf32>
      %add3A_368 = arith.constant 7.426100e-02 : f32
      %add3A_369 = vector.broadcast %add3A_368 : f32 to vector<1x128xf32>
      %add3A_370 = arith.addf %mul3A_367, %add3A_369 : vector<1x128xf32>
      %mul3A_371 = arith.mulf %add3A_370, %abs3A_357 : vector<1x128xf32>
      %sub3A_372 = arith.constant 0.212114394 : f32
      %sub3A_373 = vector.broadcast %sub3A_372 : f32 to vector<1x128xf32>
      %sub3A_374 = arith.subf %mul3A_371, %sub3A_373 : vector<1x128xf32>
      %mul3A_375 = arith.mulf %sub3A_374, %abs3A_357 : vector<1x128xf32>
      %add3A_376 = arith.constant 1.57072878 : f32
      %add3A_377 = vector.broadcast %add3A_376 : f32 to vector<1x128xf32>
      %add3A_378 = arith.addf %mul3A_375, %add3A_377 : vector<1x128xf32>
      %mul3A_379 = arith.mulf %sqrt3A_364, %add3A_378 : vector<1x128xf32>
      %lt3A_380 = arith.constant 0.000000e+00 : f32
      %lt3A_381 = vector.broadcast %lt3A_380 : f32 to vector<1x128xf32>
      %lt3A_382 = arith.cmpf olt, %min3A_356, %lt3A_381 : vector<1x128xf32>
      %sub3A_383 = arith.constant 3.14159274 : f32
      %sub3A_384 = vector.broadcast %sub3A_383 : f32 to vector<1x128xf32>
      %sub3A_385 = arith.subf %sub3A_384, %mul3A_379 : vector<1x128xf32>
      %select_n3A_386 = arith.select %lt3A_382, %sub3A_385, %mul3A_379 : vector<1x128xi1>, vector<1x128xf32>
      %sub3A_387 = arith.constant 1.57079637 : f32
      %sub3A_388 = vector.broadcast %sub3A_387 : f32 to vector<1x128xf32>
      %sub3A_389 = arith.subf %sub3A_388, %select_n3A_386 : vector<1x128xf32>
      %iota3A_390 = tpu.iota {dimensions = array<i32: 0>} : vector<512x128xi32>
      %iota3A_391 = tpu.iota {dimensions = array<i32: 1>} : vector<512x128xi32>
      %jit3A_392 = arith.constant 5 : i32
      %div3A_393 = vector.broadcast %jit3A_392 : i32 to vector<512x128xi32>
      %div3A_394 = arith.divsi %iota3A_390, %div3A_393 : vector<512x128xi32>
      %sign3A_395 = arith.constant 0 : i32
      %sign3A_396 = vector.broadcast %sign3A_395 : i32 to vector<512x128xi32>
      %sign3A_397 = arith.cmpi sgt, %iota3A_390, %sign3A_396 : vector<512x128xi32>
      %sign3A_398 = arith.extui %sign3A_397 : vector<512x128xi1> to vector<512x128xi32>
      %sign3A_399 = arith.constant 0 : i32
      %sign3A_400 = vector.broadcast %sign3A_399 : i32 to vector<512x128xi32>
      %sign3A_401 = arith.cmpi slt, %iota3A_390, %sign3A_400 : vector<512x128xi32>
      %sign3A_402 = arith.extui %sign3A_401 : vector<512x128xi1> to vector<512x128xi32>
      %sign3A_403 = arith.subi %sign3A_398, %sign3A_402 : vector<512x128xi32>
      %sign3A_404 = arith.constant 0 : i32
      %sign3A_405 = arith.cmpi sgt, %jit3A_392, %sign3A_404 : i32
      %sign3A_406 = arith.extui %sign3A_405 : i1 to i32
      %sign3A_407 = arith.constant 0 : i32
      %sign3A_408 = arith.cmpi slt, %jit3A_392, %sign3A_407 : i32
      %sign3A_409 = arith.extui %sign3A_408 : i1 to i32
      %sign3A_410 = arith.subi %sign3A_406, %sign3A_409 : i32
      %ne3A_411 = vector.broadcast %sign3A_410 : i32 to vector<512x128xi32>
      %ne3A_412 = arith.cmpi ne, %sign3A_403, %ne3A_411 : vector<512x128xi32>
      %rem3A_413 = vector.broadcast %jit3A_392 : i32 to vector<512x128xi32>
      %rem3A_414 = arith.remsi %iota3A_390, %rem3A_413 : vector<512x128xi32>
      %ne3A_415 = arith.constant 0 : i32
      %ne3A_416 = vector.broadcast %ne3A_415 : i32 to vector<512x128xi32>
      %ne3A_417 = arith.cmpi ne, %rem3A_414, %ne3A_416 : vector<512x128xi32>
      %and3A_418 = arith.andi %ne3A_412, %ne3A_417 : vector<512x128xi1>
      %sub3A_419 = arith.constant 1 : i32
      %sub3A_420 = vector.broadcast %sub3A_419 : i32 to vector<512x128xi32>
      %sub3A_421 = arith.subi %div3A_394, %sub3A_420 : vector<512x128xi32>
      %select_n3A_422 = arith.select %and3A_418, %sub3A_421, %div3A_394 : vector<512x128xi1>, vector<512x128xi32>
      %min3A_423 = arith.constant 99 : i32
      %min3A_424 = vector.broadcast %min3A_423 : i32 to vector<512x128xi32>
      %min3A_425 = arith.minsi %select_n3A_422, %min3A_424 : vector<512x128xi32>
      %eq3A_426 = arith.cmpi eq, %iota3A_391, %min3A_425 : vector<512x128xi32>
      %convert_element_type3A_427 = arith.extui %eq3A_426 : vector<512x128xi1> to vector<512x128xi32>
      %convert_element_type3A_428 = arith.sitofp %convert_element_type3A_427 : vector<512x128xi32> to vector<512x128xf32>
      %dot_general3A_429 = arith.constant dense<0.000000e+00> : vector<512x64xf32>
      %dot_general3A_430 = tpu.matmul %convert_element_type3A_428, %get3A_340, %dot_general3A_429 {dimension_numbers = #tpu.dot_dimension_numbers<[1], [0], [0], [1], [0, 0, 1, 1], [], []>, transpose_lhs_hint = false} : vector<512x128xf32>, vector<128x64xf32>, vector<512x64xf32> -> vector<512x64xf32>
      %mul3A_431 = arith.mulf %get3A_337, %dot_general3A_430 : vector<512x64xf32>
      %dot_general3A_432 = arith.constant dense<0.000000e+00> : vector<1x512xf32>
      %dot_general3A_433 = tpu.matmul %broadcast_in_dim3A_334, %mul3A_431, %dot_general3A_432 {dimension_numbers = #tpu.dot_dimension_numbers<[1], [1], [0], [0], [0, 0, 1, 0], [], []>, transpose_lhs_hint = false} : vector<1x64xf32>, vector<512x64xf32>, vector<1x512xf32> -> vector<1x512xf32>
      %mul3A_434 = arith.mulf %get3A_337, %get3A_337 : vector<512x64xf32>
      %dot_general3A_435 = arith.constant dense<0.000000e+00> : vector<1x512xf32>
      %dot_general3A_436 = tpu.matmul %broadcast_in_dim3A_334, %mul3A_434, %dot_general3A_435 {dimension_numbers = #tpu.dot_dimension_numbers<[1], [1], [0], [0], [0, 0, 1, 0], [], []>, transpose_lhs_hint = false} : vector<1x64xf32>, vector<512x64xf32>, vector<1x512xf32> -> vector<1x512xf32>
      %dot_general3A_437 = arith.constant dense<0.000000e+00> : vector<1x512xf32>
      %dot_general3A_438 = tpu.matmul %dot_general3A_343, %convert_element_type3A_428, %dot_general3A_437 {dimension_numbers = #tpu.dot_dimension_numbers<[1], [1], [0], [0], [0, 0, 1, 0], [], []>, transpose_lhs_hint = false} : vector<1x128xf32>, vector<512x128xf32>, vector<1x512xf32> -> vector<1x512xf32>
      %dot_general3A_439 = arith.constant dense<0.000000e+00> : vector<1x512xf32>
      %dot_general3A_440 = tpu.matmul %sqrt3A_344, %convert_element_type3A_428, %dot_general3A_439 {dimension_numbers = #tpu.dot_dimension_numbers<[1], [1], [0], [0], [0, 0, 1, 0], [], []>, transpose_lhs_hint = false} : vector<1x128xf32>, vector<512x128xf32>, vector<1x512xf32> -> vector<1x512xf32>
      %dot_general3A_441 = arith.constant dense<0.000000e+00> : vector<1x512xf32>
      %dot_general3A_442 = tpu.matmul %sub3A_389, %convert_element_type3A_428, %dot_general3A_441 {dimension_numbers = #tpu.dot_dimension_numbers<[1], [1], [0], [0], [0, 0, 1, 0], [], []>, transpose_lhs_hint = false} : vector<1x128xf32>, vector<512x128xf32>, vector<1x512xf32> -> vector<1x512xf32>
      %mul3A_443 = arith.constant 2.000000e+00 : f32
      %mul3A_444 = vector.broadcast %mul3A_443 : f32 to vector<1x512xf32>
      %mul3A_445 = arith.mulf %mul3A_444, %dot_general3A_433 : vector<1x512xf32>
      %sub3A_446 = arith.subf %dot_general3A_436, %mul3A_445 : vector<1x512xf32>
      %add3A_447 = arith.addf %sub3A_446, %dot_general3A_438 : vector<1x512xf32>
      %sqrt3A_448 = math.sqrt %add3A_447 : vector<1x512xf32>
      %sub3A_449 = arith.subf %dot_general3A_436, %dot_general3A_438 : vector<1x512xf32>
      %sub3A_450 = arith.subf %sub3A_449, %add3A_447 : vector<1x512xf32>
      %mul3A_451 = arith.constant 2.000000e+00 : f32
      %mul3A_452 = vector.broadcast %mul3A_451 : f32 to vector<1x512xf32>
      %mul3A_453 = arith.mulf %mul3A_452, %dot_general3A_440 : vector<1x512xf32>
      %mul3A_454 = arith.mulf %mul3A_453, %sqrt3A_448 : vector<1x512xf32>
      %add3A_455 = arith.constant 9.99999997E-7 : f32
      %add3A_456 = vector.broadcast %add3A_455 : f32 to vector<1x512xf32>
      %add3A_457 = arith.addf %mul3A_454, %add3A_456 : vector<1x512xf32>
      %div3A_458 = arith.divf %sub3A_450, %add3A_457 : vector<1x512xf32>
      %jit3A_459 = arith.constant -0.999998986 : f32
      %jit3A_460 = arith.constant 0.999998986 : f32
      %max3A_461 = vector.broadcast %jit3A_459 : f32 to vector<1x512xf32>
      %max3A_462 = arith.maximumf %max3A_461, %div3A_458 : vector<1x512xf32>
      %min3A_463 = vector.broadcast %jit3A_460 : f32 to vector<1x512xf32>
      %min3A_464 = arith.minimumf %min3A_463, %max3A_462 : vector<1x512xf32>
      %abs3A_465 = math.absf %min3A_464 : vector<1x512xf32>
      %sub3A_466 = arith.constant 1.000000e+00 : f32
      %sub3A_467 = vector.broadcast %sub3A_466 : f32 to vector<1x512xf32>
      %sub3A_468 = arith.subf %sub3A_467, %abs3A_465 : vector<1x512xf32>
      %max3A_469 = arith.constant 0.000000e+00 : f32
      %max3A_470 = vector.broadcast %max3A_469 : f32 to vector<1x512xf32>
      %max3A_471 = arith.maximumf %sub3A_468, %max3A_470 : vector<1x512xf32>
      %sqrt3A_472 = math.sqrt %max3A_471 : vector<1x512xf32>
      %mul3A_473 = arith.constant -1.872930e-02 : f32
      %mul3A_474 = vector.broadcast %mul3A_473 : f32 to vector<1x512xf32>
      %mul3A_475 = arith.mulf %mul3A_474, %abs3A_465 : vector<1x512xf32>
      %add3A_476 = arith.constant 7.426100e-02 : f32
      %add3A_477 = vector.broadcast %add3A_476 : f32 to vector<1x512xf32>
      %add3A_478 = arith.addf %mul3A_475, %add3A_477 : vector<1x512xf32>
      %mul3A_479 = arith.mulf %add3A_478, %abs3A_465 : vector<1x512xf32>
      %sub3A_480 = arith.constant 0.212114394 : f32
      %sub3A_481 = vector.broadcast %sub3A_480 : f32 to vector<1x512xf32>
      %sub3A_482 = arith.subf %mul3A_479, %sub3A_481 : vector<1x512xf32>
      %mul3A_483 = arith.mulf %sub3A_482, %abs3A_465 : vector<1x512xf32>
      %add3A_484 = arith.constant 1.57072878 : f32
      %add3A_485 = vector.broadcast %add3A_484 : f32 to vector<1x512xf32>
      %add3A_486 = arith.addf %mul3A_483, %add3A_485 : vector<1x512xf32>
      %mul3A_487 = arith.mulf %sqrt3A_472, %add3A_486 : vector<1x512xf32>
      %lt3A_488 = arith.constant 0.000000e+00 : f32
      %lt3A_489 = vector.broadcast %lt3A_488 : f32 to vector<1x512xf32>
      %lt3A_490 = arith.cmpf olt, %min3A_464, %lt3A_489 : vector<1x512xf32>
      %sub3A_491 = arith.constant 3.14159274 : f32
      %sub3A_492 = vector.broadcast %sub3A_491 : f32 to vector<1x512xf32>
      %sub3A_493 = arith.subf %sub3A_492, %mul3A_487 : vector<1x512xf32>
      %select_n3A_494 = arith.select %lt3A_490, %sub3A_493, %mul3A_487 : vector<1x512xi1>, vector<1x512xf32>
      %sub3A_495 = arith.subf %select_n3A_494, %dot_general3A_442 : vector<1x512xf32>
      %max3A_496 = arith.constant 0.000000e+00 : f32
      %max3A_497 = vector.broadcast %max3A_496 : f32 to vector<1x512xf32>
      %max3A_498 = arith.maximumf %sub3A_495, %max3A_497 : vector<1x512xf32>
      %iota3A_499 = tpu.iota {dimensions = array<i32: 1>} : vector<1x512xi32>
      %lt3A_500 = arith.constant 500 : i32
      %lt3A_501 = vector.broadcast %lt3A_500 : i32 to vector<1x512xi32>
      %lt3A_502 = arith.cmpi slt, %iota3A_499, %lt3A_501 : vector<1x512xi32>
      %sub3A_503 = arith.constant 1.000000e-01 : f32
      %sub3A_504 = vector.broadcast %sub3A_503 : f32 to vector<1x512xf32>
      %sub3A_505 = arith.subf %sub3A_504, %max3A_498 : vector<1x512xf32>
      %max3A_506 = arith.constant 0.000000e+00 : f32
      %max3A_507 = vector.broadcast %max3A_506 : f32 to vector<1x512xf32>
      %max3A_508 = arith.maximumf %sub3A_505, %max3A_507 : vector<1x512xf32>
      %jit3A_509 = arith.constant 0.000000e+00 : f32
      %broadcast_in_dim3A_510 = vector.broadcast %jit3A_509 : f32 to vector<1x512xf32>
      %select_n3A_511 = arith.select %lt3A_502, %max3A_508, %broadcast_in_dim3A_510 : vector<1x512xi1>, vector<1x512xf32>
      %reduce_sum3A_512 = vector.shape_cast %select_n3A_511 : vector<1x512xf32> to vector<1x1x512xf32>
      %reduce_sum3A_513 = arith.constant dense<0.000000e+00> : vector<1xf32>
      %reduce_sum3A_514 = vector.multi_reduction <add>, %reduce_sum3A_512, %reduce_sum3A_513 [1, 2] : vector<1x1x512xf32> to vector<1xf32>
      %reduce_sum3A_515 = vector.shape_cast %reduce_sum3A_514 : vector<1xf32> to vector<1x1x1xf32>
      %reduce_sum3A_516 = vector.extract %reduce_sum3A_515[0, 0, 0] : f32 from vector<1x1x1xf32>
      %get3A_517 = arith.constant 0 : index
      %get3A_518 = arith.constant 0 : index
      %get3A_519 = memref.load %arg5[%get3A_517, %get3A_518] : memref<1x1xf32, #tpu.memory_space<smem>>
      %div3A_520 = arith.constant 9.990000e+04 : f32
      %div3A_521 = arith.divf %get3A_519, %div3A_520 : f32
      %div3A_522 = arith.constant 5.000000e+02 : f32
      %div3A_523 = arith.divf %reduce_sum3A_516, %div3A_522 : f32
      %add3A_524 = arith.addf %div3A_521, %div3A_523 : f32
      %mul3A_525 = arith.constant 5.000000e-01 : f32
      %mul3A_526 = arith.mulf %mul3A_525, %add3A_524 : f32
      %swap3A_527 = arith.constant 0 : index
      %swap3A_528 = arith.constant 0 : index
      %swap3A_529 = memref.load %arg4[%swap3A_527, %swap3A_528] : memref<1x1xf32, #tpu.memory_space<smem>>
      memref.store %mul3A_526, %arg4[%swap3A_527, %swap3A_528] : memref<1x1xf32, #tpu.memory_space<smem>>
    } else {
    }
    return
  }
  func.func @transform_0(%arg0: i32) -> (i32, i32) {
    %c0_i32 = arith.constant 0 : i32
    %c0_i32_0 = arith.constant 0 : i32
    %c0_i32_1 = arith.constant 0 : i32
    return %c0_i32, %c0_i32_0 : i32, i32
  }
  func.func @transform_1(%arg0: i32) -> (i32, i32) {
    %c0_i32 = arith.constant 0 : i32
    %c0_i32_0 = arith.constant 0 : i32
    return %arg0, %c0_i32 : i32, i32
  }
  func.func @transform_2(%arg0: i32) -> (i32, i32) {
    %c0_i32 = arith.constant 0 : i32
    %c0_i32_0 = arith.constant 0 : i32
    %c0_i32_1 = arith.constant 0 : i32
    return %c0_i32, %c0_i32_0 : i32, i32
  }
  func.func @transform_3(%arg0: i32) -> (i32, i32) {
    %c0_i32 = arith.constant 0 : i32
    %c0_i32_0 = arith.constant 0 : i32
    %c0_i32_1 = arith.constant 0 : i32
    return %c0_i32, %c0_i32_0 : i32, i32
  }
}

</mosaic_0001>

<sc_bundles>
// kernel: kernel.4.cloned.1.call-start
scs
__scs_entry_jumppad:
0x0: {  	(pc) =	sbr.rel $0x88, $3  }
0x1: {  	(tag) =	ssettag $0x0;
	lr =	simm.s32 $0x1  }
0x2: {  	[smem:$0x3FA0] =	sst lr;
	_ =	strace $0xD0000000  }
0x3: {  	_ = 	snop  }
0x4: {  	_ = 	snop  }
0x5: {  	_ = 	snop  }
0x6: {  	_ = 	snop  }
0x7: {  	_ = 	snop  }
__scs_overlays_trampoline_lowered:
0x8: {  	[smem:$0x3FAF] =	sst s0  }
0x9: {  	[smem:$0x3FB0] =	sst s1  }
0xa: {  	[smem:$0x3FB1] =	sst s2  }
0xb: {  	[smem:$0x3FB2] =	sst s3  }
0xc: {  	[smem:$0x3FB3] =	sst s4  }
0xd: {  	[smem:$0x3FB4] =	sst s5  }
0xe: {  	[smem:$0x3FB5] =	sst s6  }
0xf: {  	[smem:$0x3FB6] =	sst s7  }
0x10: {  	[smem:$0x3FB7] =	sst s8  }
0x11: {  	[smem:$0x3FB8] =	sst s9;
	s0 =	simm.s32 @!p0 $0x0  }
0x12: {  	s1 =	sld [smem:$0x3F9E];
	s0 =	simm.s32 @p0 $0x1  }
0x13: {  	[smem:$0x3FB9] =	sst s0;
	s0 =	simm.s32 @!p1 $0x0  }
0x14: {  	s2 =	sld [smem:$0x3F9D];
	s0 =	simm.s32 @p1 $0x1  }
0x15: {  	[smem:$0x3FBA] =	sst s0;
	s0 =	simm.s32 @!p2 $0x0  }
0x16: {  	s3 =	sld [smem:$0x3FDB];
	s0 =	simm.s32 @p2 $0x1  }
0x17: {  	s4 =	simm.s32 $0x1BF5;
	[smem:$0x3FBC] =	sst s0  }
0x18: {  	s0 =	sld [smem:$0x3F9F];
	_ =	swait.ge [sflag:s4], $0x0  }
0x19: {  	s7 =	sld [smem:$0x3FA0]  }
0x1a: {  	s8 =	sadd.s32 $0xFFFFE003, lr  }
0x1b: {  	s9 =	sadd.s32 $0xFFFFFEF7, lr;
	s5 =	simm.s32 $0xFFFFFFFF;
	p2 =	slt.u32 s8, $0xFFFFF086  }
0x1c: {  	p1 =	slt.u32 s9, $0xF7A;
	s5 =	simm.s32 @!p2 $0x0  }
0x1d: {  	s5 =	simm.s32 @p1 $0x1;
	p0 =	seq.s32 s7, s2  }
0x1e: {  	s7 =	smul.u32 @!p0 $0xF7A, s2;
	p2 =	seq.s32 @!p0 s5, $0x0  }
0x1f: {  	s9 =	smul.u32 $0xF7A, s1;
	s8 =	simm.s32 @!p0 $0x1BF5;
	p2 =	por !p2, p0  }
0x20: {  	[sflag:s8] =	ssyncset.s32 @!p0 $0xFFFFF086;
	s6 =	sadd.s32 @!p0 s3, s7;
	s7 =	simm.s32 @!p0 $0x108  }
0x21: {  	s3 =	sadd.s32 s3, s9;
	s6 =	sadd.s32 @!p0 $0x88, s6;
	s7 =	simm.s32 @p2 $0x1082  }
0x22: {  	[simem:s7], [sflag:s8] =	dma.local @!p0 [hbm:s6], $0xF7A  }
0x23: {  	s9 =	sor.u32 $0xD0000000, s2;
	s6 =	simm.s32 $0x108;
	_ =	swait.ge @!p0 [sflag:s8], $0x0  }
0x24: {  	s3 =	sadd.s32 $0x88, s3;
	s6 =	simm.s32 @!p1 $0x1082;
	[sflag:s4] =	ssyncset.s32 $0xFFFFF086  }
0x25: {  	[simem:s6], [sflag:s4] =	dma.local [hbm:s3], $0xF7A  }
0x26: {  	[smem:$0x3FA0] =	sst s1;
	(tag) =	ssettag s2;
	_ =	strace s9  }
0x27: {  	s1 =	sld [smem:$0x3FB0]  }
0x28: {  	s2 =	sld [smem:$0x3FB1]  }
0x29: {  	s4 =	sld [smem:$0x3FB3]  }
0x2a: {  	p0 =	seq.s32 s5, $0x0;
	s5 =	sld [smem:$0x3FB4]  }
0x2b: {  	s6 =	sld [smem:$0x3FB5]  }
0x2c: {  	s7 =	sld [smem:$0x3FB6]  }
0x2d: {  	s3 =	simm.s32 $0x108;
	s8 =	sld [smem:$0x3FB7]  }
0x2e: {  	s3 =	simm.s32 @!p0 $0x1082;
	s9 =	sld [smem:$0x3FB8]  }
0x2f: {  	lr =	sadd.s32 s0, s3;
	s0 =	sld [smem:$0x3FAF]  }
0x30: {  	s3 =	sld [smem:$0x3FB2]  }
0x31: {  	[smem:$0x3FBB] =	sst s10  }
0x32: {  	s10 =	sld [smem:$0x3FB9];
	_ =	sdelay $0x3  }
0x33: {  	p0 =	seq.s32 s10, $0x1;
	s10 =	sld [smem:$0x3FBB];
	_ =	sdelay $0x3  }
0x34: {  	[smem:$0x3FBB] =	sst s10  }
0x35: {  	s10 =	sld [smem:$0x3FBA];
	_ =	sdelay $0x3  }
0x36: {  	p1 =	seq.s32 s10, $0x1;
	s10 =	sld [smem:$0x3FBB];
	_ =	sdelay $0x3  }
0x37: {  	[smem:$0x3FBB] =	sst s10  }
0x38: {  	s10 =	sld [smem:$0x3FBC]  }
0x39: {  	_ = 	snop;
	(pc) =	sbr.ind lr, $3  }
0x3a: {  	_ = 	snop  }
0x3b: {  	_ = 	snop  }
0x3c: {  	p2 =	seq.s32 s10, $0x1;
	s10 =	sld [smem:$0x3FBB]  }
0x3d: {  	_ =	shalt  }
0x3e: {  	_ =	shalt  }
0x3f: {  	_ =	shalt  }
0x40: {  	_ =	shalt  }
0x41: {  	_ =	shalt  }
0x42: {  	_ =	shalt  }
0x43: {  	_ =	shalt  }
0x44: {  	_ =	shalt  }
0x45: {  	_ =	shalt  }
0x46: {  	_ =	shalt  }
0x47: {  	_ =	shalt  }
0x48: {  	_ =	shalt  }
0x49: {  	_ =	shalt  }
0x4a: {  	_ =	shalt  }
0x4b: {  	_ =	shalt  }
0x4c: {  	_ =	shalt  }
0x4d: {  	_ =	shalt  }
0x4e: {  	_ =	shalt  }
0x4f: {  	_ =	shalt  }
0x50: {  	_ =	shalt  }
0x51: {  	_ =	shalt  }
0x52: {  	_ =	shalt  }
0x53: {  	_ =	shalt  }
0x54: {  	_ =	shalt  }
0x55: {  	_ =	shalt  }
0x56: {  	_ =	shalt  }
0x57: {  	_ =	shalt  }
0x58: {  	_ =	shalt  }
0x59: {  	_ =	shalt  }
0x5a: {  	_ =	shalt  }
0x5b: {  	_ =	shalt  }
0x5c: {  	_ =	shalt  }
0x5d: {  	_ =	shalt  }
0x5e: {  	_ =	shalt  }
0x5f: {  	_ =	shalt  }
0x60: {  	_ =	shalt  }
0x61: {  	_ =	shalt  }
0x62: {  	_ =	shalt  }
0x63: {  	_ =	shalt  }
0x64: {  	_ =	shalt  }
0x65: {  	_ =	shalt  }
0x66: {  	_ =	shalt  }
0x67: {  	_ =	shalt  }
0x68: {  	_ =	shalt  }
0x69: {  	_ =	shalt  }
0x6a: {  	_ =	shalt  }
0x6b: {  	_ =	shalt  }
0x6c: {  	_ =	shalt  }
0x6d: {  	_ =	shalt  }
0x6e: {  	_ =	shalt  }
0x6f: {  	_ =	shalt  }
0x70: {  	_ =	shalt  }
0x71: {  	_ =	shalt  }
0x72: {  	_ =	shalt  }
0x73: {  	_ =	shalt  }
0x74: {  	_ =	shalt  }
0x75: {  	_ =	shalt  }
0x76: {  	_ =	shalt  }
0x77: {  	_ =	shalt  }
0x78: {  	_ =	shalt  }
0x79: {  	_ =	shalt  }
0x7a: {  	_ =	shalt  }
0x7b: {  	_ =	shalt  }
0x7c: {  	_ =	shalt  }
0x7d: {  	_ =	shalt  }
0x7e: {  	_ =	shalt  }
0x7f: {  	_ =	shalt  }
0x80: {  	_ =	shalt  }
0x81: {  	_ =	shalt  }
0x82: {  	_ =	shalt  }
0x83: {  	_ =	shalt  }
0x84: {  	_ =	shalt  }
0x85: {  	_ =	shalt  }
0x86: {  	_ =	shalt  }
0x87: {  	_ =	shalt  }
.Lfunc_end0:
.L_simem_size_0:
called_computation_lowered:
.L_overlay_start_0:
0x88: {  	s2 =	sld [smem:$0x3FD9]  }
0x89: {  	s3 =	sld [smem:$0x3FFE];
	_ =	sdelay $0x1  }
0x8a: {  	s1 =	srdreg.scid  }
0x8b: {  	s0 =	sand.u32 $0x1, s1  }
0x8c: {  	s16 =	sshll.u32 s0, $0xA;
	s2 =	sadd.s32 s3, s2  }
0x8d: {  	s2 =	sadd.s32 s2, s16  }
0x8e: {  	[smem:$0x3FC7] =	sst s2  }
0x8f: {  	_ = 	snop  }
0x90: {  	(tm) =	ssettm $0x1  }
0x91: {  	s17 =	sld [smem:$0x3FFB];
	_ =	sdelay $0x3  }
0x92: {  	_ =	strace s17  }
0x93: {  	s2 =	sld [smem:$0x3FFC];
	_ =	sdelay $0x3  }
0x94: {  	_ =	strace s2  }
0x95: {  	s2 =	sld [smem:$0x3FFD];
	_ =	sdelay $0x3  }
0x96: {  	_ =	strace s2  }
0x97: {  	_ =	strace $0x8FFFFFFF  }
0x98: {  	s18 =	sld [smem:$0x3FDB];
	_ =	sdelay $0x1  }
0x99: {  	s19 =	simm.s32 $_scs_section_size  }
0x9a: {  	s4 =	simm.s32 $_size__tile_overlayer_lowered;
	s5 =	simm.s32 $_tile_overlayer_lowered  }
0x9b: {  	s22 =	simm.s32 $0x1BFF;
	s21 =	sshll.u32 s5, $0x1;
	s2 =	sadd.s32 s19, s18  }
0x9c: {  	s6 =	simm.s32 $0x0;
	s20 =	sshll.u32 s4, $0x1;
	s4 =	sadd.s32 s21, s2  }
0x9d: {  	[timem:s6], [sflag:s22] =	dma.local [hbm:s4], s20  }
0x9e: {  	_ =	swait.ge [sflag:s22], s20  }
0x9f: {  	s3 =	ssub.s32 $0x0, s20;
	[sflag:s22] =	ssyncset.done $0x0  }
0xa0: {  	[sflag:s22] =	ssyncadd.s32 s3;
	_ =	sdelay $0x1  }
0xa1: {  	s23 =	simm.s32 $0x1B8B  }
0xa2: {  	_ =	swait.ge [sflag:s23], $0x1  }
0xa3: {  	[sflag:s23] =	ssyncset.done $0x0  }
0xa4: {  	s25 =	simm.s32 $0x1B8E;
	s24 =	sld [smem:$0x3FFE];
	[sflag:s23] =	ssyncadd.s32 $0xFFFFFFFF  }
0xa5: {  	s26 =	simm.s32 $execute0_lowered;
	[smem:$0x3FD2] =	sst s25  }
0xa6: {  	s4 =	sshll.u32 s26, $0x1;
	_ =	strace $0x80000046;
	[dreg:$0x1] =	wrdreg $0xFFFFFFFF  }
0xa7: {  	s28 =	simm.s32 $_size_execute0_lowered;
	s2 =	sadd.s32 s2, s4;
	[dreg:$0x0] =	wrdreg $0x0  }
0xa8: {  	s4 =	sshll.u32 s28, $0x1;
	[dreg:$0x2] =	wrdreg s2  }
0xa9: {  	[dreg:$0x3] =	wrdreg s4  }
0xaa: {  	[dreg:$0x4] =	wrdreg $0xC0  }
0xab: {  	_ =	task [dreg:s6], $0x5FFFF  }
0xac: {  	[dreg:$0x1] =	wrdreg $0xFFFFFFFF  }
0xad: {  	[dreg:$0x0] =	wrdreg $0x60  }
0xae: {  	[dreg:$0x2] =	wrdreg s24  }
0xaf: {  	[dreg:$0x3] =	wrdreg $0x9  }
0xb0: {  	_ =	task.clear_ibuf [dreg:s6], $0x4FFFF;
	_ =	strace $0x90000046  }
0xb1: {  	s29 =	simm.s32 $0x9;
	_ =	strace $0x80000048  }
0xb2: {  	_ =	swait.ge [sflag:s29], $0x1  }
0xb3: {  	[sflag:s29] =	ssyncadd.s32 $0xFFFFFFFF  }
0xb4: {  	_ =	strace $0x90000048  }
0xb5: {  	_ =	sfence  }
0xb6: {  	s30 =	sld [smem:$0x0];
	_ =	sdelay $0x2  }
0xb7: {  	s31 =	sshll.u32 s1, $0xD;
	s1 =	sshrl.u32 s1, $0x2  }
0xb8: {  	s3 =	sand.u32 $0x4000, s31;
	s1 =	sadd.s32 s1, s30  }
0xb9: {  	s0 =	sor.u32 s3, s0;
	s1 =	sshll.u32 s1, $0x11  }
0xba: {  	s0 =	sor.u32 s1, s0  }
0xbb: {  	s0 =	sadd.s32 $0x8F2B, s0  }
0xbc: {  	[sflag:s0] =	ssyncadd.remote.s32 $0x1  }
0xbd: {  	_ =	sfence.sel $0xFFFF  }
0xbe: {  	[dreg:$0x0] =	wrdreg $0xFFFFFFFF;
	(pc) =	sbr.abs _section_cstart, $3  }
0xbf: {  	[dreg:$0x1] =	wrdreg $0xFFFFFFFF  }
0xc0: {  	_ =	task.clear_ibuf [dreg:s6], $0x2FFFF;
	_ =	strace $0x9FFFFFFF  }
0xc1: {  	(tm) =	ssettm $0x7FFFFFFF  }
tec
execute0_lowered:
.L_overlay_start_1:
0x0: {  	(tag) =	ssettag $0x1  }
0x1: {  	s1 =	srdreg.scid  }
0x2: {  	s0 =	stileid.u32;
	s3 =	sand.u32 $0x1, s1  }
0x3: {  	s4 =	rddreg [dreg:$0x0];
	s14 =	sshll.u32 s0, $0x5;
	s2 =	sshll.u32 s3, $0x4  }
0x4: {  	s1 =	rddreg [dreg:$0x1];
	s5 =	sor.u32 s2, s14;
	s2 =	simm.s32 $0x0  }
0x5: {  	s15 =	simm.s32 $0x100;
	[smem:$0x7FF] =	sst s2  }
0x6: {  	s16 =	simm.s32 $0x180;
	_ =	strace $0x80000047;
	[dreg:$0x4] =	wrdreg s15  }
0x7: {  	s17 =	simm.s32 $0x200;
	[dreg:$0x5] =	wrdreg s16  }
0x8: {  	s18 =	simm.s32 $0x280;
	[dreg:$0x6] =	wrdreg s17  }
0x9: {  	s19 =	simm.s32 $0x300;
	[dreg:$0x7] =	wrdreg s18  }
0xa: {  	s20 =	simm.s32 $0x380;
	s21 =	simm.s32 $0x400;
	[dreg:$0x8] =	wrdreg s19  }
0xb: {  	s22 =	simm.s32 $0x480;
	s23 =	simm.s32 $0x500;
	[dreg:$0x9] =	wrdreg s20  }
0xc: {  	s24 =	simm.s32 $0x580;
	s26 =	simm.s32 $0x600;
	[dreg:$0xa] =	wrdreg s21  }
0xd: {  	s28 =	simm.s32 $0x680;
	s29 =	simm.s32 $0x700;
	[dreg:$0xb] =	wrdreg s22  }
0xe: {  	s30 =	simm.s32 $0x780;
	s3 =	ssub.s32 $0x2, s3;
	[dreg:$0xc] =	wrdreg s23  }
0xf: {  	s31 =	simm.s32 $0x800;
	s25 =	sshrl.u32 s3, $0x1;
	[dreg:$0xd] =	wrdreg s24  }
0x10: {  	p0 =	por $0x0, $0x0;
	s3 =	ssub.s32 s3, s25;
	[dreg:$0xe] =	wrdreg s26  }
0x11: {  	s6 =	sshrl.u32 s5, $0x3;
	s7 =	smax.u32 s3, $0x1;
	[dreg:$0xf] =	wrdreg s28  }
0x12: {  	s5 =	sshll.u32 s5, $0x4;
	[dreg:$0x10] =	wrdreg s29;
	p1 =	sne.s32 s7, $0x1  }
.Ltmp0:
0x13: {  	s6 =	sadd.s32 s6, s4;
	[dreg:$0x11] =	wrdreg s30;
	(pc) =	sbr.rel @!p1 .LBB2_3-.Ltmp0, $4  }
0x14: {  	s5 =	sadd.s32 s5, s4;
	[dreg:$0x12] =	wrdreg s31;
	s6 =	sadd.s32 $0x187200, s6  }
0x15: {  	s3 =	simm.s32 $0x2;
	s5 =	sadd.s32 $0x187400, s5;
	[dreg:$0x2] =	wrdreg s6  }
0x16: {  	s7 =	sadd.s32 $0xFFFFFFFF, s7;
	[dreg:$0x3] =	wrdreg s5;
	s6 =	sadd.s32 $0x800, s4  }
0x17: {  	s4 =	simm.s32 $0x80;
	s5 =	simm.s32 $0x1;
	s8 =	rddreg [dreg:$0x2]  }
0x18: {  	[tilespmem:s2], [sflag:$0x2] =	stream.linear.gather [hbm4b:s8+s2], $0x10, $0x38;
	[tilespmem:$0x880] =	vst v63  }
0x19: {  	_ =	swait.ge [sflag:s3], $0x10  }
0x1a: {  	[sflag:s3] =	ssyncset.done $0x0  }
0x1b: {  	[sflag:s3] =	ssyncadd.s32 $0xFFFFFFF0  }
0x1c: {  	v0 =	vld [tilespmem:$0x0];
	_ =	sdelay $0x4  }
0x1d: {  	v0 =	vshll.u32 v0, $0x4  }
0x1e: {  	(v2sf) =	vpush v0, $0x0  }
0x1f: {  	(v2sf) =	vpush v0, $0x1  }
0x20: {  	(v2sf) =	vpush v0, $0x2;
	_ =	sdelay $0x1  }
0x21: {  	s9 =	rddreg [dreg:$0x10];
	(v2sf) =	vpush v0, $0x3  }
0x22: {  	s10 =	rddreg [dreg:$0xf]  }
0x23: {  	s11 =	rddreg [dreg:$0xe];
	(v2sf) =	vpush v0, $0x4  }
0x24: {  	s12 =	rddreg [dreg:$0xd]  }
0x25: {  	s13 =	rddreg [dreg:$0xc];
	(v2sf) =	vpush v0, $0x5  }
0x26: {  	s14 =	rddreg [dreg:$0xb]  }
0x27: {  	s15 =	rddreg [dreg:$0xa];
	(v2sf) =	vpush v0, $0x6  }
0x28: {  	s16 =	rddreg [dreg:$0x9]  }
0x29: {  	s17 =	rddreg [dreg:$0x8];
	(v2sf) =	vpush v0, $0x7  }
0x2a: {  	s18 =	rddreg [dreg:$0x7]  }
0x2b: {  	s19 =	rddreg [dreg:$0x6];
	(v2sf) =	vpush v0, $0x8  }
0x2c: {  	s20 =	rddreg [dreg:$0x5];
	s21 =	spop (v2sf)  }
0x2d: {  	s22 =	rddreg [dreg:$0x4];
	(v2sf) =	vpush v0, $0x9;
	s21 =	sand.u32 $0x1FFFFFF0, s21;
	s23 =	spop (v2sf)  }
0x2e: {  	s21 =	sadd.s32 s6, s21;
	s23 =	sand.u32 $0x1FFFFFF0, s23;
	s24 =	spop (v2sf)  }
0x2f: {  	(v2sf) =	vpush v0, $0xA;
	[tilespmem:s4], [sflag:$0x1] =	stream.linear.gather [hbm4b:s21+s2], $0x80, $0x38;
	[tilespmem:$0x880] =	vst v63  }
0x30: {  	s25 =	sadd.s32 s6, s23;
	s26 =	sand.u32 $0x1FFFFFF0, s24;
	s28 =	spop (v2sf)  }
0x31: {  	(v2sf) =	vpush v0, $0xB;
	[tilespmem:s22], [sflag:$0x1] =	stream.linear.gather [hbm4b:s25+s2], $0x80, $0x38;
	[tilespmem:$0x880] =	vst v63  }
0x32: {  	s29 =	sadd.s32 s6, s26;
	s30 =	sand.u32 $0x1FFFFFF0, s28;
	s31 =	spop (v2sf)  }
0x33: {  	(v2sf) =	vpush v0, $0xC;
	[tilespmem:s20], [sflag:$0x1] =	stream.linear.gather [hbm4b:s29+s2], $0x80, $0x38;
	[tilespmem:$0x880] =	vst v63  }
0x34: {  	s22 =	sadd.s32 s6, s30;
	s23 =	sand.u32 $0x1FFFFFF0, s31;
	s24 =	spop (v2sf)  }
0x35: {  	(v2sf) =	vpush v0, $0xD;
	[tilespmem:s19], [sflag:$0x1] =	stream.linear.gather [hbm4b:s22+s2], $0x80, $0x38;
	[tilespmem:$0x880] =	vst v63  }
0x36: {  	s25 =	sadd.s32 s6, s23;
	s26 =	sand.u32 $0x1FFFFFF0, s24;
	s28 =	spop (v2sf)  }
0x37: {  	(v2sf) =	vpush v0, $0xE;
	[tilespmem:s18], [sflag:$0x1] =	stream.linear.gather [hbm4b:s25+s2], $0x80, $0x38;
	[tilespmem:$0x880] =	vst v63  }
0x38: {  	s29 =	sadd.s32 s6, s26;
	s30 =	sand.u32 $0x1FFFFFF0, s28;
	s31 =	spop (v2sf)  }
0x39: {  	(v2sf) =	vpush v0, $0xF;
	[tilespmem:s17], [sflag:$0x1] =	stream.linear.gather [hbm4b:s29+s2], $0x80, $0x38;
	[tilespmem:$0x880] =	vst v63  }
0x3a: {  	s20 =	sand.u32 $0x1FFFFFF0, s31;
	s21 =	spop (v2sf);
	s19 =	sadd.s32 s6, s30  }
0x3b: {  	[tilespmem:s16], [sflag:$0x1] =	stream.linear.gather [hbm4b:s19+s2], $0x80, $0x38;
	[tilespmem:$0x880] =	vst v63  }
0x3c: {  	s22 =	sadd.s32 s6, s20;
	s23 =	sand.u32 $0x1FFFFFF0, s21;
	s24 =	spop (v2sf)  }
0x3d: {  	[tilespmem:s15], [sflag:$0x1] =	stream.linear.gather [hbm4b:s22+s2], $0x80, $0x38;
	[tilespmem:$0x880] =	vst v63  }
0x3e: {  	s25 =	sadd.s32 s6, s23;
	s26 =	sand.u32 $0x1FFFFFF0, s24;
	s28 =	spop (v2sf)  }
0x3f: {  	[tilespmem:s14], [sflag:$0x1] =	stream.linear.gather [hbm4b:s25+s2], $0x80, $0x38;
	[tilespmem:$0x880] =	vst v63  }
0x40: {  	s29 =	sadd.s32 s6, s26;
	s30 =	sand.u32 $0x1FFFFFF0, s28;
	s31 =	spop (v2sf)  }
0x41: {  	[tilespmem:s13], [sflag:$0x1] =	stream.linear.gather [hbm4b:s29+s2], $0x80, $0x38;
	[tilespmem:$0x880] =	vst v63  }
0x42: {  	s15 =	sand.u32 $0x1FFFFFF0, s31;
	s16 =	spop (v2sf);
	s14 =	sadd.s32 s6, s30  }
0x43: {  	[tilespmem:s12], [sflag:$0x1] =	stream.linear.gather [hbm4b:s14+s2], $0x80, $0x38;
	[tilespmem:$0x880] =	vst v63  }
0x44: {  	s17 =	sadd.s32 s6, s15;
	s18 =	sand.u32 $0x1FFFFFF0, s16;
	s19 =	spop (v2sf)  }
0x45: {  	[tilespmem:s11], [sflag:$0x1] =	stream.linear.gather [hbm4b:s17+s2], $0x80, $0x38;
	[tilespmem:$0x880] =	vst v63  }
0x46: {  	s20 =	sadd.s32 s6, s18;
	s21 =	sand.u32 $0x1FFFFFF0, s19;
	s22 =	spop (v2sf)  }
0x47: {  	[tilespmem:s10], [sflag:$0x1] =	stream.linear.gather [hbm4b:s20+s2], $0x80, $0x38;
	[tilespmem:$0x880] =	vst v63  }
0x48: {  	s23 =	sadd.s32 s6, s21;
	s24 =	sand.u32 $0x1FFFFFF0, s22;
	s25 =	spop (v2sf)  }
0x49: {  	[tilespmem:s9], [sflag:$0x1] =	stream.linear.gather [hbm4b:s23+s2], $0x80, $0x38;
	[tilespmem:$0x880] =	vst v63  }
0x4a: {  	s8 =	rddreg [dreg:$0x11];
	s26 =	sadd.s32 s6, s24;
	s28 =	sand.u32 $0x1FFFFFF0, s25  }
0x4b: {  	[tilespmem:s8], [sflag:$0x1] =	stream.linear.gather [hbm4b:s26+s2], $0x80, $0x38;
	[tilespmem:$0x880] =	vst v63  }
0x4c: {  	s29 =	rddreg [dreg:$0x12];
	s30 =	sadd.s32 s6, s28  }
0x4d: {  	[tilespmem:s29], [sflag:$0x1] =	stream.linear.gather [hbm4b:s30+s2], $0x80, $0x38;
	[tilespmem:$0x880] =	vst v63  }
0x4e: {  	_ =	swait.ge [sflag:s5], $0x80  }
0x4f: {  	[sflag:s5] =	ssyncset.done $0x0  }
0x50: {  	[sflag:s5] =	ssyncadd.s32 $0xFFFFFF80  }
0x51: {  	_ =	swait.ge [sflag:s5], $0x80  }
0x52: {  	[sflag:s5] =	ssyncset.done $0x0  }
0x53: {  	[sflag:s5] =	ssyncadd.s32 $0xFFFFFF80  }
0x54: {  	_ =	swait.ge [sflag:s5], $0x80  }
0x55: {  	[sflag:s5] =	ssyncset.done $0x0  }
0x56: {  	[sflag:s5] =	ssyncadd.s32 $0xFFFFFF80  }
0x57: {  	_ =	swait.ge [sflag:s5], $0x80  }
0x58: {  	[sflag:s5] =	ssyncset.done $0x0  }
0x59: {  	[sflag:s5] =	ssyncadd.s32 $0xFFFFFF80  }
0x5a: {  	_ =	swait.ge [sflag:s5], $0x80  }
0x5b: {  	[sflag:s5] =	ssyncset.done $0x0  }
0x5c: {  	[sflag:s5] =	ssyncadd.s32 $0xFFFFFF80  }
0x5d: {  	_ =	swait.ge [sflag:s5], $0x80  }
0x5e: {  	[sflag:s5] =	ssyncset.done $0x0  }
0x5f: {  	[sflag:s5] =	ssyncadd.s32 $0xFFFFFF80  }
0x60: {  	_ =	swait.ge [sflag:s5], $0x80  }
0x61: {  	[sflag:s5] =	ssyncset.done $0x0  }
0x62: {  	[sflag:s5] =	ssyncadd.s32 $0xFFFFFF80  }
0x63: {  	_ =	swait.ge [sflag:s5], $0x80  }
0x64: {  	[sflag:s5] =	ssyncset.done $0x0  }
0x65: {  	[sflag:s5] =	ssyncadd.s32 $0xFFFFFF80  }
0x66: {  	_ =	swait.ge [sflag:s5], $0x80  }
0x67: {  	[sflag:s5] =	ssyncset.done $0x0  }
0x68: {  	[sflag:s5] =	ssyncadd.s32 $0xFFFFFF80  }
0x69: {  	_ =	swait.ge [sflag:s5], $0x80  }
0x6a: {  	[sflag:s5] =	ssyncset.done $0x0  }
0x6b: {  	[sflag:s5] =	ssyncadd.s32 $0xFFFFFF80  }
0x6c: {  	_ =	swait.ge [sflag:s5], $0x80  }
0x6d: {  	[sflag:s5] =	ssyncset.done $0x0  }
0x6e: {  	[sflag:s5] =	ssyncadd.s32 $0xFFFFFF80  }
0x6f: {  	_ =	swait.ge [sflag:s5], $0x80  }
0x70: {  	[sflag:s5] =	ssyncset.done $0x0  }
0x71: {  	[sflag:s5] =	ssyncadd.s32 $0xFFFFFF80  }
0x72: {  	_ =	swait.ge [sflag:s5], $0x80  }
0x73: {  	[sflag:s5] =	ssyncset.done $0x0  }
0x74: {  	[sflag:s5] =	ssyncadd.s32 $0xFFFFFF80  }
0x75: {  	_ =	swait.ge [sflag:s5], $0x80  }
0x76: {  	[sflag:s5] =	ssyncset.done $0x0  }
0x77: {  	[sflag:s5] =	ssyncadd.s32 $0xFFFFFF80  }
0x78: {  	_ =	swait.ge [sflag:s5], $0x80  }
0x79: {  	[sflag:s5] =	ssyncset.done $0x0  }
0x7a: {  	[sflag:s5] =	ssyncadd.s32 $0xFFFFFF80  }
0x7b: {  	p1 =	sne.s32 s7, $0x1;
	_ =	swait.ge [sflag:s5], $0x80  }
.Ltmp1:
0x7c: {  	[sflag:s5] =	ssyncset.done $0x0;
	(pc) =	sbr.rel @!p1 .LBB2_3-.Ltmp1, $4  }
0x7d: {  	s31 =	rddreg [dreg:$0x3];
	[sflag:s5] =	ssyncadd.s32 $0xFFFFFF80  }
0x7e: {  	[hbm4b:s31+s2] =	stream.linear.scatter [tilespmem:s4], [sflag:$0x2], $0x800, $0x38;
	[tilespmem:$0x880] =	vst v63  }
0x7f: {  	s7 =	sadd.s32 $0xFFFFFFFF, s7;
	_ =	swait.ge [sflag:s3], $0x800  }
0x80: {  	p0 =	por $0x1, $0x1;
	s8 =	rddreg [dreg:$0x2];
	[sflag:s3] =	ssyncset.done $0x0  }
.LBB2_2:
0x81: {  	[sflag:s3] =	ssyncadd.s32 $0xFFFFF800  }
0x82: {  	[tilespmem:s2], [sflag:$0x2] =	stream.linear.gather [hbm4b:s8+s2], $0x10, $0x38;
	[tilespmem:$0x880] =	vst v63  }
0x83: {  	_ =	swait.ge [sflag:s3], $0x10  }
0x84: {  	[sflag:s3] =	ssyncset.done $0x0  }
0x85: {  	[sflag:s3] =	ssyncadd.s32 $0xFFFFFFF0  }
0x86: {  	v0 =	vld [tilespmem:$0x0];
	_ =	sdelay $0x4  }
0x87: {  	v0 =	vshll.u32 v0, $0x4  }
0x88: {  	(v2sf) =	vpush v0, $0x0  }
0x89: {  	(v2sf) =	vpush v0, $0x1  }
0x8a: {  	(v2sf) =	vpush v0, $0x2;
	_ =	sdelay $0x1  }
0x8b: {  	s9 =	rddreg [dreg:$0x10];
	(v2sf) =	vpush v0, $0x3  }
0x8c: {  	s10 =	rddreg [dreg:$0xf]  }
0x8d: {  	s11 =	rddreg [dreg:$0xe];
	(v2sf) =	vpush v0, $0x4  }
0x8e: {  	s12 =	rddreg [dreg:$0xd]  }
0x8f: {  	s13 =	rddreg [dreg:$0xc];
	(v2sf) =	vpush v0, $0x5  }
0x90: {  	s14 =	rddreg [dreg:$0xb]  }
0x91: {  	s15 =	rddreg [dreg:$0xa];
	(v2sf) =	vpush v0, $0x6  }
0x92: {  	s16 =	rddreg [dreg:$0x9]  }
0x93: {  	s17 =	rddreg [dreg:$0x8];
	(v2sf) =	vpush v0, $0x7  }
0x94: {  	s18 =	rddreg [dreg:$0x7]  }
0x95: {  	s19 =	rddreg [dreg:$0x6];
	(v2sf) =	vpush v0, $0x8  }
0x96: {  	s20 =	rddreg [dreg:$0x5];
	s21 =	spop (v2sf)  }
0x97: {  	s22 =	rddreg [dreg:$0x4];
	s21 =	sand.u32 $0x1FFFFFF0, s21;
	s23 =	spop (v2sf);
	(v2sf) =	vpush v0, $0x9  }
0x98: {  	s21 =	sadd.s32 s6, s21;
	s23 =	sand.u32 $0x1FFFFFF0, s23;
	s24 =	spop (v2sf)  }
0x99: {  	(v2sf) =	vpush v0, $0xA;
	[tilespmem:s4], [sflag:$0x1] =	stream.linear.gather [hbm4b:s21+s2], $0x80, $0x38;
	[tilespmem:$0x880] =	vst v63  }
0x9a: {  	s25 =	sadd.s32 s6, s23;
	s26 =	sand.u32 $0x1FFFFFF0, s24;
	s28 =	spop (v2sf)  }
0x9b: {  	(v2sf) =	vpush v0, $0xB;
	[tilespmem:s22], [sflag:$0x1] =	stream.linear.gather [hbm4b:s25+s2], $0x80, $0x38;
	[tilespmem:$0x880] =	vst v63  }
0x9c: {  	s29 =	sadd.s32 s6, s26;
	s30 =	sand.u32 $0x1FFFFFF0, s28;
	s31 =	spop (v2sf)  }
0x9d: {  	(v2sf) =	vpush v0, $0xC;
	[tilespmem:s20], [sflag:$0x1] =	stream.linear.gather [hbm4b:s29+s2], $0x80, $0x38;
	[tilespmem:$0x880] =	vst v63  }
0x9e: {  	s22 =	sadd.s32 s6, s30;
	s23 =	sand.u32 $0x1FFFFFF0, s31;
	s24 =	spop (v2sf)  }
0x9f: {  	(v2sf) =	vpush v0, $0xD;
	[tilespmem:s19], [sflag:$0x1] =	stream.linear.gather [hbm4b:s22+s2], $0x80, $0x38;
	[tilespmem:$0x880] =	vst v63  }
0xa0: {  	s25 =	sadd.s32 s6, s23;
	s26 =	sand.u32 $0x1FFFFFF0, s24;
	s28 =	spop (v2sf)  }
0xa1: {  	(v2sf) =	vpush v0, $0xE;
	[tilespmem:s18], [sflag:$0x1] =	stream.linear.gather [hbm4b:s25+s2], $0x80, $0x38;
	[tilespmem:$0x880] =	vst v63  }
0xa2: {  	s29 =	sadd.s32 s6, s26;
	s30 =	sand.u32 $0x1FFFFFF0, s28;
	s31 =	spop (v2sf)  }
0xa3: {  	(v2sf) =	vpush v0, $0xF;
	[tilespmem:s17], [sflag:$0x1] =	stream.linear.gather [hbm4b:s29+s2], $0x80, $0x38;
	[tilespmem:$0x880] =	vst v63  }
0xa4: {  	s20 =	sand.u32 $0x1FFFFFF0, s31;
	s21 =	spop (v2sf);
	s19 =	sadd.s32 s6, s30  }
0xa5: {  	[tilespmem:s16], [sflag:$0x1] =	stream.linear.gather [hbm4b:s19+s2], $0x80, $0x38;
	[tilespmem:$0x880] =	vst v63  }
0xa6: {  	s22 =	sadd.s32 s6, s20;
	s23 =	sand.u32 $0x1FFFFFF0, s21;
	s24 =	spop (v2sf)  }
0xa7: {  	[tilespmem:s15], [sflag:$0x1] =	stream.linear.gather [hbm4b:s22+s2], $0x80, $0x38;
	[tilespmem:$0x880] =	vst v63  }
0xa8: {  	s25 =	sadd.s32 s6, s23;
	s26 =	sand.u32 $0x1FFFFFF0, s24;
	s28 =	spop (v2sf)  }
0xa9: {  	[tilespmem:s14], [sflag:$0x1] =	stream.linear.gather [hbm4b:s25+s2], $0x80, $0x38;
	[tilespmem:$0x880] =	vst v63  }
0xaa: {  	s29 =	sadd.s32 s6, s26;
	s30 =	sand.u32 $0x1FFFFFF0, s28;
	s31 =	spop (v2sf)  }
0xab: {  	[tilespmem:s13], [sflag:$0x1] =	stream.linear.gather [hbm4b:s29+s2], $0x80, $0x38;
	[tilespmem:$0x880] =	vst v63  }
0xac: {  	s14 =	sadd.s32 s6, s30;
	s15 =	sand.u32 $0x1FFFFFF0, s31;
	s16 =	spop (v2sf)  }
0xad: {  	[tilespmem:s12], [sflag:$0x1] =	stream.linear.gather [hbm4b:s14+s2], $0x80, $0x38;
	[tilespmem:$0x880] =	vst v63  }
0xae: {  	s17 =	sadd.s32 s6, s15;
	s18 =	sand.u32 $0x1FFFFFF0, s16;
	s19 =	spop (v2sf)  }
0xaf: {  	[tilespmem:s11], [sflag:$0x1] =	stream.linear.gather [hbm4b:s17+s2], $0x80, $0x38;
	[tilespmem:$0x880] =	vst v63  }
0xb0: {  	s20 =	sadd.s32 s6, s18;
	s21 =	sand.u32 $0x1FFFFFF0, s19;
	s22 =	spop (v2sf)  }
0xb1: {  	[tilespmem:s10], [sflag:$0x1] =	stream.linear.gather [hbm4b:s20+s2], $0x80, $0x38;
	[tilespmem:$0x880] =	vst v63  }
0xb2: {  	s23 =	sadd.s32 s6, s21;
	s24 =	sand.u32 $0x1FFFFFF0, s22;
	s25 =	spop (v2sf)  }
0xb3: {  	[tilespmem:s9], [sflag:$0x1] =	stream.linear.gather [hbm4b:s23+s2], $0x80, $0x38;
	[tilespmem:$0x880] =	vst v63  }
0xb4: {  	s8 =	rddreg [dreg:$0x11];
	s26 =	sadd.s32 s6, s24;
	s28 =	sand.u32 $0x1FFFFFF0, s25  }
0xb5: {  	[tilespmem:s8], [sflag:$0x1] =	stream.linear.gather [hbm4b:s26+s2], $0x80, $0x38;
	[tilespmem:$0x880] =	vst v63  }
0xb6: {  	s29 =	rddreg [dreg:$0x12];
	s30 =	sadd.s32 s6, s28  }
0xb7: {  	[tilespmem:s29], [sflag:$0x1] =	stream.linear.gather [hbm4b:s30+s2], $0x80, $0x38;
	[tilespmem:$0x880] =	vst v63  }
0xb8: {  	_ =	swait.ge [sflag:s5], $0x80  }
0xb9: {  	[sflag:s5] =	ssyncset.done $0x0  }
0xba: {  	[sflag:s5] =	ssyncadd.s32 $0xFFFFFF80  }
0xbb: {  	_ =	swait.ge [sflag:s5], $0x80  }
0xbc: {  	[sflag:s5] =	ssyncset.done $0x0  }
0xbd: {  	[sflag:s5] =	ssyncadd.s32 $0xFFFFFF80  }
0xbe: {  	_ =	swait.ge [sflag:s5], $0x80  }
0xbf: {  	[sflag:s5] =	ssyncset.done $0x0  }
0xc0: {  	[sflag:s5] =	ssyncadd.s32 $0xFFFFFF80  }
0xc1: {  	_ =	swait.ge [sflag:s5], $0x80  }
0xc2: {  	[sflag:s5] =	ssyncset.done $0x0  }
0xc3: {  	[sflag:s5] =	ssyncadd.s32 $0xFFFFFF80  }
0xc4: {  	_ =	swait.ge [sflag:s5], $0x80  }
0xc5: {  	[sflag:s5] =	ssyncset.done $0x0  }
0xc6: {  	[sflag:s5] =	ssyncadd.s32 $0xFFFFFF80  }
0xc7: {  	_ =	swait.ge [sflag:s5], $0x80  }
0xc8: {  	[sflag:s5] =	ssyncset.done $0x0  }
0xc9: {  	[sflag:s5] =	ssyncadd.s32 $0xFFFFFF80  }
0xca: {  	_ =	swait.ge [sflag:s5], $0x80  }
0xcb: {  	[sflag:s5] =	ssyncset.done $0x0  }
0xcc: {  	[sflag:s5] =	ssyncadd.s32 $0xFFFFFF80  }
0xcd: {  	_ =	swait.ge [sflag:s5], $0x80  }
0xce: {  	[sflag:s5] =	ssyncset.done $0x0  }
0xcf: {  	[sflag:s5] =	ssyncadd.s32 $0xFFFFFF80  }
0xd0: {  	_ =	swait.ge [sflag:s5], $0x80  }
0xd1: {  	[sflag:s5] =	ssyncset.done $0x0  }
0xd2: {  	[sflag:s5] =	ssyncadd.s32 $0xFFFFFF80  }
0xd3: {  	_ =	swait.ge [sflag:s5], $0x80  }
0xd4: {  	[sflag:s5] =	ssyncset.done $0x0  }
0xd5: {  	[sflag:s5] =	ssyncadd.s32 $0xFFFFFF80  }
0xd6: {  	_ =	swait.ge [sflag:s5], $0x80  }
0xd7: {  	[sflag:s5] =	ssyncset.done $0x0  }
0xd8: {  	[sflag:s5] =	ssyncadd.s32 $0xFFFFFF80  }
0xd9: {  	_ =	swait.ge [sflag:s5], $0x80  }
0xda: {  	[sflag:s5] =	ssyncset.done $0x0  }
0xdb: {  	[sflag:s5] =	ssyncadd.s32 $0xFFFFFF80  }
0xdc: {  	_ =	swait.ge [sflag:s5], $0x80  }
0xdd: {  	[sflag:s5] =	ssyncset.done $0x0  }
0xde: {  	[sflag:s5] =	ssyncadd.s32 $0xFFFFFF80  }
0xdf: {  	_ =	swait.ge [sflag:s5], $0x80  }
0xe0: {  	[sflag:s5] =	ssyncset.done $0x0  }
0xe1: {  	[sflag:s5] =	ssyncadd.s32 $0xFFFFFF80  }
0xe2: {  	_ =	swait.ge [sflag:s5], $0x80  }
0xe3: {  	[sflag:s5] =	ssyncset.done $0x0  }
0xe4: {  	[sflag:s5] =	ssyncadd.s32 $0xFFFFFF80  }
0xe5: {  	p1 =	sne.s32 s7, $0x1;
	_ =	swait.ge [sflag:s5], $0x80  }
.Ltmp2:
0xe6: {  	[sflag:s5] =	ssyncset.done $0x0;
	(pc) =	sbr.rel @p1 .LBB2_2-.Ltmp2, $4  }
0xe7: {  	s31 =	rddreg [dreg:$0x3];
	[sflag:s5] =	ssyncadd.s32 $0xFFFFFF80  }
0xe8: {  	[hbm4b:s31+s2] =	stream.linear.scatter [tilespmem:s4], [sflag:$0x2], $0x800, $0x38;
	[tilespmem:$0x880] =	vst v63  }
0xe9: {  	_ =	swait.ge [sflag:s3], $0x800  }
0xea: {  	s7 =	sadd.s32 $0xFFFFFFFF, s7;
	s8 =	rddreg [dreg:$0x2];
	[sflag:s3] =	ssyncset.done $0x0  }
.LBB2_3:
0xeb: {  	[sflag:s3] =	ssyncadd.s32 @p0 $0xFFFFF800  }
0xec: {  	[tilespmem:s2], [sflag:$0x2] =	stream.linear.gather [hbm4b:s8+s2], $0x10, $0x38;
	[tilespmem:$0x880] =	vst v63  }
0xed: {  	_ =	swait.ge [sflag:s3], $0x10  }
0xee: {  	[sflag:s3] =	ssyncset.done $0x0  }
0xef: {  	[sflag:s3] =	ssyncadd.s32 $0xFFFFFFF0  }
0xf0: {  	v0 =	vld [tilespmem:$0x0];
	_ =	sdelay $0x4  }
0xf1: {  	v0 =	vshll.u32 v0, $0x4  }
0xf2: {  	(v2sf) =	vpush v0, $0x0  }
0xf3: {  	(v2sf) =	vpush v0, $0x1  }
0xf4: {  	(v2sf) =	vpush v0, $0x2;
	_ =	sdelay $0x1  }
0xf5: {  	s8 =	rddreg [dreg:$0x10];
	(v2sf) =	vpush v0, $0x3  }
0xf6: {  	s9 =	rddreg [dreg:$0xf]  }
0xf7: {  	s10 =	rddreg [dreg:$0xe];
	(v2sf) =	vpush v0, $0x4  }
0xf8: {  	s11 =	rddreg [dreg:$0xd]  }
0xf9: {  	s12 =	rddreg [dreg:$0xc];
	(v2sf) =	vpush v0, $0x5  }
0xfa: {  	s13 =	rddreg [dreg:$0xb]  }
0xfb: {  	s14 =	rddreg [dreg:$0xa];
	(v2sf) =	vpush v0, $0x6  }
0xfc: {  	s15 =	rddreg [dreg:$0x9]  }
0xfd: {  	s16 =	rddreg [dreg:$0x8];
	(v2sf) =	vpush v0, $0x7  }
0xfe: {  	s17 =	rddreg [dreg:$0x7]  }
0xff: {  	s18 =	rddreg [dreg:$0x6];
	(v2sf) =	vpush v0, $0x8  }
0x100: {  	s19 =	rddreg [dreg:$0x5];
	s20 =	spop (v2sf)  }
0x101: {  	s21 =	rddreg [dreg:$0x4];
	(v2sf) =	vpush v0, $0x9;
	s20 =	sand.u32 $0x1FFFFFF0, s20;
	s22 =	spop (v2sf)  }
0x102: {  	s20 =	sadd.s32 s6, s20;
	s22 =	sand.u32 $0x1FFFFFF0, s22;
	s23 =	spop (v2sf)  }
0x103: {  	(v2sf) =	vpush v0, $0xA;
	[tilespmem:s4], [sflag:$0x1] =	stream.linear.gather [hbm4b:s20+s2], $0x80, $0x38;
	[tilespmem:$0x880] =	vst v63  }
0x104: {  	s25 =	sadd.s32 s6, s22;
	s26 =	sand.u32 $0x1FFFFFF0, s23;
	s28 =	spop (v2sf)  }
0x105: {  	(v2sf) =	vpush v0, $0xB;
	[tilespmem:s21], [sflag:$0x1] =	stream.linear.gather [hbm4b:s25+s2], $0x80, $0x38;
	[tilespmem:$0x880] =	vst v63  }
0x106: {  	s29 =	sadd.s32 s6, s26;
	s30 =	sand.u32 $0x1FFFFFF0, s28;
	s31 =	spop (v2sf)  }
0x107: {  	(v2sf) =	vpush v0, $0xC;
	[tilespmem:s19], [sflag:$0x1] =	stream.linear.gather [hbm4b:s29+s2], $0x80, $0x38;
	[tilespmem:$0x880] =	vst v63  }
0x108: {  	s21 =	sadd.s32 s6, s30;
	s23 =	sand.u32 $0x1FFFFFF0, s31;
	s24 =	spop (v2sf)  }
0x109: {  	(v2sf) =	vpush v0, $0xD;
	[tilespmem:s18], [sflag:$0x1] =	stream.linear.gather [hbm4b:s21+s2], $0x80, $0x38;
	[tilespmem:$0x880] =	vst v63  }
0x10a: {  	s25 =	sadd.s32 s6, s23;
	s26 =	sand.u32 $0x1FFFFFF0, s24;
	s28 =	spop (v2sf)  }
0x10b: {  	(v2sf) =	vpush v0, $0xE;
	[tilespmem:s17], [sflag:$0x1] =	stream.linear.gather [hbm4b:s25+s2], $0x80, $0x38;
	[tilespmem:$0x880] =	vst v63  }
0x10c: {  	s29 =	sadd.s32 s6, s26;
	s30 =	sand.u32 $0x1FFFFFF0, s28;
	s31 =	spop (v2sf)  }
0x10d: {  	(v2sf) =	vpush v0, $0xF;
	[tilespmem:s16], [sflag:$0x1] =	stream.linear.gather [hbm4b:s29+s2], $0x80, $0x38;
	[tilespmem:$0x880] =	vst v63  }
0x10e: {  	s20 =	sand.u32 $0x1FFFFFF0, s31;
	s18 =	sadd.s32 s6, s30;
	s21 =	spop (v2sf)  }
0x10f: {  	[tilespmem:s15], [sflag:$0x1] =	stream.linear.gather [hbm4b:s18+s2], $0x80, $0x38;
	[tilespmem:$0x880] =	vst v63  }
0x110: {  	s22 =	sadd.s32 s6, s20;
	s23 =	sand.u32 $0x1FFFFFF0, s21;
	s24 =	spop (v2sf)  }
0x111: {  	[tilespmem:s14], [sflag:$0x1] =	stream.linear.gather [hbm4b:s22+s2], $0x80, $0x38;
	[tilespmem:$0x880] =	vst v63  }
0x112: {  	s25 =	sadd.s32 s6, s23;
	s26 =	sand.u32 $0x1FFFFFF0, s24;
	s28 =	spop (v2sf)  }
0x113: {  	[tilespmem:s13], [sflag:$0x1] =	stream.linear.gather [hbm4b:s25+s2], $0x80, $0x38;
	[tilespmem:$0x880] =	vst v63  }
0x114: {  	s29 =	sadd.s32 s6, s26;
	s30 =	sand.u32 $0x1FFFFFF0, s28;
	s31 =	spop (v2sf)  }
0x115: {  	[tilespmem:s12], [sflag:$0x1] =	stream.linear.gather [hbm4b:s29+s2], $0x80, $0x38;
	[tilespmem:$0x880] =	vst v63  }
0x116: {  	s14 =	sadd.s32 s6, s30;
	s15 =	sand.u32 $0x1FFFFFF0, s31;
	s16 =	spop (v2sf)  }
0x117: {  	[tilespmem:s11], [sflag:$0x1] =	stream.linear.gather [hbm4b:s14+s2], $0x80, $0x38;
	[tilespmem:$0x880] =	vst v63  }
0x118: {  	s17 =	sadd.s32 s6, s15;
	s18 =	sand.u32 $0x1FFFFFF0, s16;
	s19 =	spop (v2sf)  }
0x119: {  	[tilespmem:s10], [sflag:$0x1] =	stream.linear.gather [hbm4b:s17+s2], $0x80, $0x38;
	[tilespmem:$0x880] =	vst v63  }
0x11a: {  	s20 =	sadd.s32 s6, s18;
	s21 =	sand.u32 $0x1FFFFFF0, s19;
	s22 =	spop (v2sf)  }
0x11b: {  	[tilespmem:s9], [sflag:$0x1] =	stream.linear.gather [hbm4b:s20+s2], $0x80, $0x38;
	[tilespmem:$0x880] =	vst v63  }
0x11c: {  	s23 =	sadd.s32 s6, s21;
	s24 =	sand.u32 $0x1FFFFFF0, s22;
	s25 =	spop (v2sf)  }
0x11d: {  	[tilespmem:s8], [sflag:$0x1] =	stream.linear.gather [hbm4b:s23+s2], $0x80, $0x38;
	[tilespmem:$0x880] =	vst v63  }
0x11e: {  	s7 =	rddreg [dreg:$0x11];
	s26 =	sadd.s32 s6, s24;
	s28 =	sand.u32 $0x1FFFFFF0, s25  }
0x11f: {  	[tilespmem:s7], [sflag:$0x1] =	stream.linear.gather [hbm4b:s26+s2], $0x80, $0x38;
	[tilespmem:$0x880] =	vst v63  }
0x120: {  	s29 =	rddreg [dreg:$0x12];
	s30 =	sadd.s32 s6, s28  }
0x121: {  	[tilespmem:s29], [sflag:$0x1] =	stream.linear.gather [hbm4b:s30+s2], $0x80, $0x38;
	[tilespmem:$0x880] =	vst v63  }
0x122: {  	_ =	swait.ge [sflag:s5], $0x80  }
0x123: {  	[sflag:s5] =	ssyncset.done $0x0  }
0x124: {  	[sflag:s5] =	ssyncadd.s32 $0xFFFFFF80  }
0x125: {  	_ =	swait.ge [sflag:s5], $0x80  }
0x126: {  	[sflag:s5] =	ssyncset.done $0x0  }
0x127: {  	[sflag:s5] =	ssyncadd.s32 $0xFFFFFF80  }
0x128: {  	_ =	swait.ge [sflag:s5], $0x80  }
0x129: {  	[sflag:s5] =	ssyncset.done $0x0  }
0x12a: {  	[sflag:s5] =	ssyncadd.s32 $0xFFFFFF80  }
0x12b: {  	_ =	swait.ge [sflag:s5], $0x80  }
0x12c: {  	[sflag:s5] =	ssyncset.done $0x0  }
0x12d: {  	[sflag:s5] =	ssyncadd.s32 $0xFFFFFF80  }
0x12e: {  	_ =	swait.ge [sflag:s5], $0x80  }
0x12f: {  	[sflag:s5] =	ssyncset.done $0x0  }
0x130: {  	[sflag:s5] =	ssyncadd.s32 $0xFFFFFF80  }
0x131: {  	_ =	swait.ge [sflag:s5], $0x80  }
0x132: {  	[sflag:s5] =	ssyncset.done $0x0  }
0x133: {  	[sflag:s5] =	ssyncadd.s32 $0xFFFFFF80  }
0x134: {  	_ =	swait.ge [sflag:s5], $0x80  }
0x135: {  	[sflag:s5] =	ssyncset.done $0x0  }
0x136: {  	[sflag:s5] =	ssyncadd.s32 $0xFFFFFF80  }
0x137: {  	_ =	swait.ge [sflag:s5], $0x80  }
0x138: {  	[sflag:s5] =	ssyncset.done $0x0  }
0x139: {  	[sflag:s5] =	ssyncadd.s32 $0xFFFFFF80  }
0x13a: {  	_ =	swait.ge [sflag:s5], $0x80  }
0x13b: {  	[sflag:s5] =	ssyncset.done $0x0  }
0x13c: {  	[sflag:s5] =	ssyncadd.s32 $0xFFFFFF80  }
0x13d: {  	_ =	swait.ge [sflag:s5], $0x80  }
0x13e: {  	[sflag:s5] =	ssyncset.done $0x0  }
0x13f: {  	[sflag:s5] =	ssyncadd.s32 $0xFFFFFF80  }
0x140: {  	_ =	swait.ge [sflag:s5], $0x80  }
0x141: {  	[sflag:s5] =	ssyncset.done $0x0  }
0x142: {  	[sflag:s5] =	ssyncadd.s32 $0xFFFFFF80  }
0x143: {  	_ =	swait.ge [sflag:s5], $0x80  }
0x144: {  	[sflag:s5] =	ssyncset.done $0x0  }
0x145: {  	[sflag:s5] =	ssyncadd.s32 $0xFFFFFF80  }
0x146: {  	_ =	swait.ge [sflag:s5], $0x80  }
0x147: {  	[sflag:s5] =	ssyncset.done $0x0  }
0x148: {  	[sflag:s5] =	ssyncadd.s32 $0xFFFFFF80  }
0x149: {  	_ =	swait.ge [sflag:s5], $0x80  }
0x14a: {  	[sflag:s5] =	ssyncset.done $0x0  }
0x14b: {  	[sflag:s5] =	ssyncadd.s32 $0xFFFFFF80  }
0x14c: {  	_ =	swait.ge [sflag:s5], $0x80  }
0x14d: {  	[sflag:s5] =	ssyncset.done $0x0  }
0x14e: {  	[sflag:s5] =	ssyncadd.s32 $0xFFFFFF80  }
0x14f: {  	_ =	swait.ge [sflag:s5], $0x80  }
0x150: {  	[sflag:s5] =	ssyncset.done $0x0  }
0x151: {  	s31 =	rddreg [dreg:$0x3];
	[sflag:s5] =	ssyncadd.s32 $0xFFFFFF80  }
0x152: {  	[hbm4b:s31+s2] =	stream.linear.scatter [tilespmem:s4], [sflag:$0x2], $0x800, $0x38;
	[tilespmem:$0x880] =	vst v63  }
0x153: {  	_ =	swait.ge [sflag:s3], $0x800  }
0x154: {  	[sflag:s3] =	ssyncset.done $0x0  }
0x155: {  	[sflag:s3] =	ssyncadd.s32 $0xFFFFF800  }
0x156: {  	_ =	sfence.sel $0x180000  }
0x157: {  	[bflag:$0x0] =	sbarrier.arrive $0xFFFF  }
0x158: {  	p0 =	sne.s32 s0, $0x0;
	_ =	strace $0x90000047  }
0x159: {  	s0 =	sadd.s32 @!p0 $0x100000, s1;
	[bflag:$0x2] =	sbarrier.arrive $0xFFFF  }
0x15a: {  	[sflag:s0] =	ssyncadd.tile.s32 @!p0 $0x1;
	_ =	shalt  }
.Lfunc_end2:
_tile_overlayer_lowered:
.L_overlay_start_2:
0x15b: {  	(tag) =	ssettag $0x2  }
0x15c: {  	s0 =	rddreg [dreg:$0x0];
	s2 =	stileid.u32  }
0x15d: {  	s1 =	rddreg [dreg:$0x1];
	p0 =	sne.s32 s2, $0x0  }
0x15e: {  	s3 =	rddreg [dreg:$0x2];
	[bflag:$0x3] =	sbarrier.arrive $0xFFFF;
	s2 =	simm.s32 @!p0 $0x1C02  }
0x15f: {  	[timem:s3], [sflag:s2] =	dma.local @!p0 [hbm:s0], s1  }
0x160: {  	s0 =	simm.s32 @!p0 $0x2  }
0x161: {  	_ =	swait.ge @!p0 [sflag:s0], s1  }
0x162: {  	s1 =	ssub.s32 @!p0 $0x0, s1;
	[sflag:s0] =	ssyncset.done @!p0 $0x0  }
0x163: {  	[sflag:s0] =	ssyncadd.s32 @!p0 s1  }
0x164: {  	[bflag:$0x3] =	sbarrier.arrive $0xFFFF  }
0x165: {  	_ =	shalt  }

</sc_bundles>
